<compile_context>
chip_gen: v7x
topology: tpu7x:2x2x1
jax: 0.10.2.dev20260603
libtpu: 0.0.44.dev20260713+nightly
codegen_flags: <defaults>
</compile_context>

<pallas_src>
import functools

import jax
import jax.numpy as jnp
from jax import lax
from jax.experimental import pallas as pl
from jax.experimental.pallas import tpu as pltpu
from jax.experimental.pallas import tpu_sc as plsc

N = 10000
D = 128
O = 128
NNZ = 320000
L = 16
NC = 2
NS = 16
NW = NC * NS
CPT = O // NW
DPT = D // NS
UNROLL = 4

CH = 6400
NCHUNK = NNZ // CH
ECH = 8000
ENCHUNK = (NNZ // NC) // ECH


def _stream_chunks(rows_hbm, cols_hbm, vals_hbm, base, ch, nchunk, bufs,
                   process):
  def start(k, b):
    rbuf, cbuf, vbuf, sem = bufs[b]
    sl = pl.ds(base + k * ch, ch)
    pltpu.async_copy(rows_hbm.at[sl], rbuf, sem)
    pltpu.async_copy(cols_hbm.at[sl], cbuf, sem)
    pltpu.async_copy(vals_hbm.at[sl], vbuf, sem)

  def drain(b):
    rbuf, cbuf, vbuf, sem = bufs[b]
    pltpu.make_async_copy(rows_hbm.at[pl.ds(0, ch)], rbuf, sem).wait()
    pltpu.make_async_copy(cols_hbm.at[pl.ds(0, ch)], cbuf, sem).wait()
    pltpu.make_async_copy(vals_hbm.at[pl.ds(0, ch)], vbuf, sem).wait()

  start(0, 0)
  start(1, 1)

  def step(k2, carry):
    k = k2 * 2
    drain(0)
    process(0)

    @pl.when(k + 2 < nchunk)
    def _():
      start(k + 2, 0)

    drain(1)
    process(1)

    @pl.when(k + 3 < nchunk)
    def _():
      start(k + 3, 1)
    return carry
  lax.fori_loop(0, nchunk // 2, step, 0)


def _densify_body(fr, fc, fv, fb_hbm, acc, rb0, cb0, vb0, rb1, cb1, vb1,
                  sem0, sem1):
  cid = lax.axis_index("c")
  sid = lax.axis_index("s")
  colbase = (sid * DPT).astype(jnp.int32)
  ebase = cid * (NNZ // NC)
  bufs = ((rb0, cb0, vb0, sem0), (rb1, cb1, vb1, sem1))

  @plsc.parallel_loop(0, N * DPT // L, unroll=UNROLL)
  def _zero(i):
    acc[pl.ds(i * L, L)] = jnp.zeros((L,), jnp.float32)

  def process(b):
    rbuf, cbuf, vbuf, _ = bufs[b]

    @plsc.parallel_loop(0, ECH // L, unroll=UNROLL)
    def _grp(g):
      sl = pl.ds(g * L, L)
      r = rbuf[sl]
      c2 = cbuf[sl] - colbase
      v = vbuf[sl]
      own = (c2 >= 0) & (c2 < DPT)
      plsc.addupdate_scatter(acc, [c2 * N + r], v, mask=own)

  _stream_chunks(fr, fc, fv, ebase, ECH, ENCHUNK, bufs, process)
  pltpu.sync_copy(acc, fb_hbm.at[pl.ds(cid * D * N + colbase * N, DPT * N)])


def _matmul_kernel(w_ref, fb_ref, o_ref):
  fb = fb_ref[0] + fb_ref[1]
  o_ref[...] = lax.dot_general(
      w_ref[...], fb, (((0,), (0,)), ((), ())),
      precision=lax.Precision.HIGHEST,
      preferred_element_type=jnp.float32)


def _spmm_body(ar, ac, av, xwt_hbm, out_hbm, xw, ob,
               rb0, cb0, vb0, rb1, cb1, vb1, sem0, sem1, xsem):
  wid = lax.axis_index("s") * NC + lax.axis_index("c")
  colbase = wid * CPT
  bufs = ((rb0, cb0, vb0, sem0), (rb1, cb1, vb1, sem1))

  xcp = pltpu.async_copy(xwt_hbm.at[pl.ds(colbase * N, CPT * N)], xw, xsem)

  @plsc.parallel_loop(0, N * CPT // L, unroll=UNROLL)
  def _zero(i):
    ob[pl.ds(i * L, L)] = jnp.zeros((L,), jnp.float32)

  xcp.wait()

  goffs = [j * N for j in range(CPT)]

  def process(b):
    rbuf, cbuf, vbuf, _ = bufs[b]

    @plsc.parallel_loop(0, CH // L, unroll=UNROLL)
    def _grp(g):
      sl = pl.ds(g * L, L)
      r = rbuf[sl]
      c = cbuf[sl]
      v = vbuf[sl]
      prods = [v * plsc.load_gather(xw, [c + goffs[j]]) for j in range(CPT)]
      for j in range(CPT):
        plsc.addupdate_scatter(ob, [r + goffs[j]], prods[j])

  _stream_chunks(ar, ac, av, 0, CH, NCHUNK, bufs, process)

  @plsc.parallel_loop(0, N * CPT // L, unroll=UNROLL)
  def _relu(i):
    sl = pl.ds(i * L, L)
    ob[sl] = jnp.maximum(ob[sl], 0.0)

  pltpu.sync_copy(ob, out_hbm.at[wid])


@functools.partial(jax.jit)
def _run(fr, fc, fv, ar, ac, av, weight):
  mesh = plsc.VectorSubcoreMesh(core_axis_name="c", subcore_axis_name="s")

  def chunk_scratch(ch):
    return [
        pltpu.VMEM((ch,), jnp.int32),
        pltpu.VMEM((ch,), jnp.int32),
        pltpu.VMEM((ch,), jnp.float32),
        pltpu.VMEM((ch,), jnp.int32),
        pltpu.VMEM((ch,), jnp.int32),
        pltpu.VMEM((ch,), jnp.float32),
        pltpu.SemaphoreType.DMA,
        pltpu.SemaphoreType.DMA,
    ]

  densify = pl.kernel(
      _densify_body,
      out_type=jax.ShapeDtypeStruct((NC * D * N,), jnp.float32),
      mesh=mesh,
      scratch_types=[pltpu.VMEM((N * DPT,), jnp.float32)]
      + chunk_scratch(ECH),
      compiler_params=pltpu.CompilerParams(needs_layout_passes=False),
  )
  fb = densify(fr, fc, fv)

  xwt = pl.pallas_call(
      _matmul_kernel,
      out_shape=jax.ShapeDtypeStruct((O, N), jnp.float32),
  )(weight, fb.reshape(NC, D, N))

  spmm = pl.kernel(
      _spmm_body,
      out_type=jax.ShapeDtypeStruct((NW, N * CPT), jnp.float32),
      mesh=mesh,
      scratch_types=[
          pltpu.VMEM((N * CPT,), jnp.float32),
          pltpu.VMEM((N * CPT,), jnp.float32),
      ] + chunk_scratch(CH) + [pltpu.SemaphoreType.DMA],
      compiler_params=pltpu.CompilerParams(needs_layout_passes=False),
  )
  blocks = spmm(ar, ac, av, xwt.reshape(-1))
  return blocks.reshape(NW, CPT, N).transpose(2, 0, 1).reshape(N, O)


def kernel(feat_rows, feat_cols, feat_values, adj_row, adj_col, adj_values,
           weight):
  return _run(feat_rows, feat_cols, feat_values,
              adj_row, adj_col, adj_values, weight)

# --- scband reference (transcript-rebuilt; emitter-appended) ---
"""Pipeline reference for scband-graph-convolution-sparse-1297080124151 (READ-ONLY COPY).

The authoritative reference and input builder live on the scoring server;
editing this copy changes nothing except your own understanding.
"""

import jax, jax.numpy as jnp
import numpy as np

N = 10000
D = 128
O = 128
FNNZ = 320000
E = 320000

def setup_inputs(seed: int = 0) -> dict:
    key = jax.random.key(seed)
    k1, k2, k3, k4, k5, k6, k7 = jax.random.split(key, 7)
    feat_rows = jax.random.randint(k1, (FNNZ,), 0, N, dtype=jnp.int64 if jax.config.jax_enable_x64 else jnp.int32).astype(jnp.int32)
    feat_cols = jax.random.randint(k2, (FNNZ,), 0, D).astype(jnp.int32)
    feat_values = jax.random.uniform(k3, (FNNZ,), dtype=jnp.float32)
    adj_row = jax.random.randint(k4, (E,), 0, N).astype(jnp.int32)
    adj_col = jax.random.randint(k5, (E,), 0, N).astype(jnp.int32)
    adj_values = jax.random.uniform(k6, (E,), dtype=jnp.float32)
    # glorot-uniform weight as in weight_variable_glorot(input_dim, output_dim)
    init_range = np.sqrt(6.0 / (D + O))
    weight = jax.random.uniform(k7, (D, O), minval=-init_range, maxval=init_range, dtype=jnp.float32)
    return {
        "feat_rows": feat_rows,
        "feat_cols": feat_cols,
        "feat_values": feat_values,
        "adj_row": adj_row,
        "adj_col": adj_col,
        "adj_values": adj_values,
        "weight": weight,
    }

def reference(feat_rows, feat_cols, feat_values, adj_row, adj_col, adj_values, weight):
    # dropout=0.0 -> keep_prob=1.0 -> dropout_sparse retains every nnz and scales by 1/keep_prob=1.0
    keep_prob = 1.0
    vals = feat_values * (1.0 / keep_prob)
    # x = spmm(features_sparse, weight): gather weight rows by feature column index,
    # scale by nnz value, scatter-add into node rows.
    xw = jnp.zeros((N, O), dtype=jnp.float32).at[feat_rows].add(vals[:, None] * weight[feat_cols])
    # x = spmm(adj, xw): gather neighbor rows, scale by edge weight, scatter-add into dst rows.
    out = jnp.zeros((N, O), dtype=jnp.float32).at[adj_row].add(adj_values[:, None] * xw[adj_col])
    # act = ReLU
    return jax.nn.relu(out)

if __name__ == "__main__":
    import jax
    _d = setup_inputs()
    print(jax.jit(kernel)(*tuple(_d.values())))

</pallas_src>

<mosaic_0001>
#map = affine_map<(d0, d1) -> (0)>
#map1 = affine_map<(d0, d1) -> (0, 0)>
module attributes {stable_mosaic.version = 14 : i64} {
  func.func @_spmm_body(%arg0: i32, %arg1: i32, %arg2: memref<320000xi32, #tpu.memory_space<hbm>>, %arg3: memref<320000xi32, #tpu.memory_space<hbm>>, %arg4: memref<320000xf32, #tpu.memory_space<hbm>>, %arg5: memref<1280000xf32, #tpu.memory_space<hbm>>, %arg6: memref<32x40000xf32, #tpu.memory_space<hbm>>, %arg7: memref<40000xf32, #tpu.memory_space<vmem>>, %arg8: memref<40000xf32, #tpu.memory_space<vmem>>, %arg9: memref<6400xi32, #tpu.memory_space<vmem>>, %arg10: memref<6400xi32, #tpu.memory_space<vmem>>, %arg11: memref<6400xf32, #tpu.memory_space<vmem>>, %arg12: memref<6400xi32, #tpu.memory_space<vmem>>, %arg13: memref<6400xi32, #tpu.memory_space<vmem>>, %arg14: memref<6400xf32, #tpu.memory_space<vmem>>, %arg15: memref<!tpu.dma_semaphore, #tpu.memory_space<semaphore_mem>>, %arg16: memref<!tpu.dma_semaphore, #tpu.memory_space<semaphore_mem>>, %arg17: memref<!tpu.dma_semaphore, #tpu.memory_space<semaphore_mem>>) attributes {dimension_semantics = [#tpu.dimension_semantics<core_parallel>, #tpu.dimension_semantics<subcore_parallel>], iteration_bounds = array<i64: 2, 16>, scalar_prefetch = 0 : i64, scratch_operands = 11 : i64, tpu.core_type = #tpu.core_type<sc_vector_subcore>, window_params = [{transform_indices = #map}, {transform_indices = #map}, {transform_indices = #map}, {transform_indices = #map}, {transform_indices = #map1}]} {
    %mul3A = arith.constant 2 : i32
    %mul3A_0 = arith.muli %arg1, %mul3A : i32
    %add3A = arith.addi %mul3A_0, %arg0 : i32
    %mul3A_1 = arith.constant 4 : i32
    %mul3A_2 = arith.muli %add3A, %mul3A_1 : i32
    %mul3A_3 = arith.constant 10000 : i32
    %mul3A_4 = arith.muli %mul3A_2, %mul3A_3 : i32
    %dma_start3A = tpu.memref_slice %arg5[%mul3A_4] : memref<1280000xf32, #tpu.memory_space<hbm>> -> memref<40000xf32, #tpu.memory_space<hbm>>
    %dma_start3A_5 = tpu.memref_slice %arg5[%mul3A_4] : memref<1280000xf32, #tpu.memory_space<hbm>> -> memref<40000xf32, #tpu.memory_space<hbm>>
    tpu.enqueue_dma source(%dma_start3A_5 : memref<40000xf32, #tpu.memory_space<hbm>>) target(%arg7 : memref<40000xf32, #tpu.memory_space<vmem>>) target_semaphore(%arg17 : memref<!tpu.dma_semaphore, #tpu.memory_space<semaphore_mem>>)
    %parallel_loop3A = arith.constant 0 : i32
    %parallel_loop3A_6 = arith.constant 2500 : i32
    %parallel_loop3A_7 = arith.constant 1 : i32
    scf.for %parallel_loop3A_41 = %parallel_loop3A to %parallel_loop3A_6 step %parallel_loop3A_7  : i32 {
      %parallel_loop3A_42 = arith.constant 0.000000e+00 : f32
      %parallel_loop3A_43 = vector.broadcast %parallel_loop3A_42 : f32 to vector<16xf32>
      %parallel_loop3A_44 = arith.constant 16 : i32
      %parallel_loop3A_45 = arith.muli %parallel_loop3A_41, %parallel_loop3A_44 : i32
      %parallel_loop3A_46 = arith.index_cast %parallel_loop3A_45 : i32 to index
      %parallel_loop3A_47 = tpu.vector_load %arg8[%parallel_loop3A_46] {strides = array<i32>} : memref<40000xf32, #tpu.memory_space<vmem>>, vector<16xf32>,
      tpu.vector_store %arg8[%parallel_loop3A_46], %parallel_loop3A_43 {strides = array<i32>} : memref<40000xf32, #tpu.memory_space<vmem>>, vector<16xf32>,
    } {sc.loop_unroll_factor = 4 : i64, sc.parallel_access}
    %dma_wait3A = tpu.memref_slice %arg5[%mul3A_4] : memref<1280000xf32, #tpu.memory_space<hbm>> -> memref<40000xf32, #tpu.memory_space<hbm>>
    %dma_wait3A_8 = tpu.memref_slice %arg5[%mul3A_4] : memref<1280000xf32, #tpu.memory_space<hbm>> -> memref<40000xf32, #tpu.memory_space<hbm>>
    tpu.wait_dma2 semaphore(%arg17 : memref<!tpu.dma_semaphore, #tpu.memory_space<semaphore_mem>>) src(%dma_wait3A_8 : memref<40000xf32, #tpu.memory_space<hbm>>) dst(%arg7 : memref<40000xf32, #tpu.memory_space<vmem>>)
    %dma_start3A_9 = arith.constant 0 : i32
    %dma_start3A_10 = tpu.memref_slice %arg2[%dma_start3A_9] : memref<320000xi32, #tpu.memory_space<hbm>> -> memref<6400xi32, #tpu.memory_space<hbm>>
    %dma_start3A_11 = arith.constant 0 : i32
    %dma_start3A_12 = tpu.memref_slice %arg2[%dma_start3A_11] : memref<320000xi32, #tpu.memory_space<hbm>> -> memref<6400xi32, #tpu.memory_space<hbm>>
    tpu.enqueue_dma source(%dma_start3A_12 : memref<6400xi32, #tpu.memory_space<hbm>>) target(%arg9 : memref<6400xi32, #tpu.memory_space<vmem>>) target_semaphore(%arg15 : memref<!tpu.dma_semaphore, #tpu.memory_space<semaphore_mem>>)
    %dma_start3A_13 = arith.constant 0 : i32
    %dma_start3A_14 = tpu.memref_slice %arg3[%dma_start3A_13] : memref<320000xi32, #tpu.memory_space<hbm>> -> memref<6400xi32, #tpu.memory_space<hbm>>
    %dma_start3A_15 = arith.constant 0 : i32
    %dma_start3A_16 = tpu.memref_slice %arg3[%dma_start3A_15] : memref<320000xi32, #tpu.memory_space<hbm>> -> memref<6400xi32, #tpu.memory_space<hbm>>
    tpu.enqueue_dma source(%dma_start3A_16 : memref<6400xi32, #tpu.memory_space<hbm>>) target(%arg10 : memref<6400xi32, #tpu.memory_space<vmem>>) target_semaphore(%arg15 : memref<!tpu.dma_semaphore, #tpu.memory_space<semaphore_mem>>)
    %dma_start3A_17 = arith.constant 0 : i32
    %dma_start3A_18 = tpu.memref_slice %arg4[%dma_start3A_17] : memref<320000xf32, #tpu.memory_space<hbm>> -> memref<6400xf32, #tpu.memory_space<hbm>>
    %dma_start3A_19 = arith.constant 0 : i32
    %dma_start3A_20 = tpu.memref_slice %arg4[%dma_start3A_19] : memref<320000xf32, #tpu.memory_space<hbm>> -> memref<6400xf32, #tpu.memory_space<hbm>>
    tpu.enqueue_dma source(%dma_start3A_20 : memref<6400xf32, #tpu.memory_space<hbm>>) target(%arg11 : memref<6400xf32, #tpu.memory_space<vmem>>) target_semaphore(%arg15 : memref<!tpu.dma_semaphore, #tpu.memory_space<semaphore_mem>>)
    %dma_start3A_21 = arith.constant 6400 : i32
    %dma_start3A_22 = tpu.memref_slice %arg2[%dma_start3A_21] : memref<320000xi32, #tpu.memory_space<hbm>> -> memref<6400xi32, #tpu.memory_space<hbm>>
    %dma_start3A_23 = arith.constant 6400 : i32
    %dma_start3A_24 = tpu.memref_slice %arg2[%dma_start3A_23] : memref<320000xi32, #tpu.memory_space<hbm>> -> memref<6400xi32, #tpu.memory_space<hbm>>
    tpu.enqueue_dma source(%dma_start3A_24 : memref<6400xi32, #tpu.memory_space<hbm>>) target(%arg12 : memref<6400xi32, #tpu.memory_space<vmem>>) target_semaphore(%arg16 : memref<!tpu.dma_semaphore, #tpu.memory_space<semaphore_mem>>)
    %dma_start3A_25 = arith.constant 6400 : i32
    %dma_start3A_26 = tpu.memref_slice %arg3[%dma_start3A_25] : memref<320000xi32, #tpu.memory_space<hbm>> -> memref<6400xi32, #tpu.memory_space<hbm>>
    %dma_start3A_27 = arith.constant 6400 : i32
    %dma_start3A_28 = tpu.memref_slice %arg3[%dma_start3A_27] : memref<320000xi32, #tpu.memory_space<hbm>> -> memref<6400xi32, #tpu.memory_space<hbm>>
    tpu.enqueue_dma source(%dma_start3A_28 : memref<6400xi32, #tpu.memory_space<hbm>>) target(%arg13 : memref<6400xi32, #tpu.memory_space<vmem>>) target_semaphore(%arg16 : memref<!tpu.dma_semaphore, #tpu.memory_space<semaphore_mem>>)
    %dma_start3A_29 = arith.constant 6400 : i32
    %dma_start3A_30 = tpu.memref_slice %arg4[%dma_start3A_29] : memref<320000xf32, #tpu.memory_space<hbm>> -> memref<6400xf32, #tpu.memory_space<hbm>>
    %dma_start3A_31 = arith.constant 6400 : i32
    %dma_start3A_32 = tpu.memref_slice %arg4[%dma_start3A_31] : memref<320000xf32, #tpu.memory_space<hbm>> -> memref<6400xf32, #tpu.memory_space<hbm>>
    tpu.enqueue_dma source(%dma_start3A_32 : memref<6400xf32, #tpu.memory_space<hbm>>) target(%arg14 : memref<6400xf32, #tpu.memory_space<vmem>>) target_semaphore(%arg16 : memref<!tpu.dma_semaphore, #tpu.memory_space<semaphore_mem>>)
    %scan3A = arith.constant 0 : i32
    %scan3A_33 = arith.constant 0 : i32
    %scan3A_34 = arith.constant 25 : i32
    %scan3A_35 = arith.addi %scan3A_33, %scan3A_34 : i32
    %scan3A_36 = arith.constant 1 : i32
    scf.for %scan3A_41 = %scan3A_33 to %scan3A_35 step %scan3A_36  : i32 {
      %mul3A_42 = arith.constant 2 : i32
      %mul3A_43 = arith.muli %scan3A_41, %mul3A_42 : i32
      %dma_wait3A_44 = arith.constant 0 : i32
      %dma_wait3A_45 = tpu.memref_slice %arg2[%dma_wait3A_44] : memref<320000xi32, #tpu.memory_space<hbm>> -> memref<6400xi32, #tpu.memory_space<hbm>>
      %dma_wait3A_46 = arith.constant 0 : i32
      %dma_wait3A_47 = tpu.memref_slice %arg2[%dma_wait3A_46] : memref<320000xi32, #tpu.memory_space<hbm>> -> memref<6400xi32, #tpu.memory_space<hbm>>
      tpu.wait_dma2 semaphore(%arg15 : memref<!tpu.dma_semaphore, #tpu.memory_space<semaphore_mem>>) src(%dma_wait3A_47 : memref<6400xi32, #tpu.memory_space<hbm>>) dst(%arg9 : memref<6400xi32, #tpu.memory_space<vmem>>)
      %dma_wait3A_48 = arith.constant 0 : i32
      %dma_wait3A_49 = tpu.memref_slice %arg3[%dma_wait3A_48] : memref<320000xi32, #tpu.memory_space<hbm>> -> memref<6400xi32, #tpu.memory_space<hbm>>
      %dma_wait3A_50 = arith.constant 0 : i32
      %dma_wait3A_51 = tpu.memref_slice %arg3[%dma_wait3A_50] : memref<320000xi32, #tpu.memory_space<hbm>> -> memref<6400xi32, #tpu.memory_space<hbm>>
      tpu.wait_dma2 semaphore(%arg15 : memref<!tpu.dma_semaphore, #tpu.memory_space<semaphore_mem>>) src(%dma_wait3A_51 : memref<6400xi32, #tpu.memory_space<hbm>>) dst(%arg10 : memref<6400xi32, #tpu.memory_space<vmem>>)
      %dma_wait3A_52 = arith.constant 0 : i32
      %dma_wait3A_53 = tpu.memref_slice %arg4[%dma_wait3A_52] : memref<320000xf32, #tpu.memory_space<hbm>> -> memref<6400xf32, #tpu.memory_space<hbm>>
      %dma_wait3A_54 = arith.constant 0 : i32
      %dma_wait3A_55 = tpu.memref_slice %arg4[%dma_wait3A_54] : memref<320000xf32, #tpu.memory_space<hbm>> -> memref<6400xf32, #tpu.memory_space<hbm>>
      tpu.wait_dma2 semaphore(%arg15 : memref<!tpu.dma_semaphore, #tpu.memory_space<semaphore_mem>>) src(%dma_wait3A_55 : memref<6400xf32, #tpu.memory_space<hbm>>) dst(%arg11 : memref<6400xf32, #tpu.memory_space<vmem>>)
      %parallel_loop3A_56 = arith.constant 0 : i32
      %parallel_loop3A_57 = arith.constant 400 : i32
      %parallel_loop3A_58 = arith.constant 1 : i32
      scf.for %parallel_loop3A_85 = %parallel_loop3A_56 to %parallel_loop3A_57 step %parallel_loop3A_58  : i32 {
        %parallel_loop3A_86 = arith.constant 16 : i32
        %parallel_loop3A_87 = arith.muli %parallel_loop3A_85, %parallel_loop3A_86 : i32
        %parallel_loop3A_88 = arith.index_cast %parallel_loop3A_87 : i32 to index
        %parallel_loop3A_89 = tpu.vector_load %arg9[%parallel_loop3A_88] {strides = array<i32>} : memref<6400xi32, #tpu.memory_space<vmem>>, vector<16xi32>,
        %parallel_loop3A_90 = arith.index_cast %parallel_loop3A_87 : i32 to index
        %parallel_loop3A_91 = tpu.vector_load %arg10[%parallel_loop3A_90] {strides = array<i32>} : memref<6400xi32, #tpu.memory_space<vmem>>, vector<16xi32>,
        %parallel_loop3A_92 = arith.index_cast %parallel_loop3A_87 : i32 to index
        %parallel_loop3A_93 = tpu.vector_load %arg11[%parallel_loop3A_92] {strides = array<i32>} : memref<6400xf32, #tpu.memory_space<vmem>>, vector<16xf32>,
        %parallel_loop3A_94 = arith.constant 0 : i32
        %parallel_loop3A_95 = vector.broadcast %parallel_loop3A_94 : i32 to vector<16xi32>
        %parallel_loop3A_96 = arith.addi %parallel_loop3A_91, %parallel_loop3A_95 : vector<16xi32>
        %parallel_loop3A_97 = tpu.vector_load_idx %arg7[%parallel_loop3A_96] : memref<40000xf32, #tpu.memory_space<vmem>>[vector<16xi32>], vector<16xf32>,
        %parallel_loop3A_98 = arith.mulf %parallel_loop3A_93, %parallel_loop3A_97 : vector<16xf32>
        %parallel_loop3A_99 = arith.constant 10000 : i32
        %parallel_loop3A_100 = vector.broadcast %parallel_loop3A_99 : i32 to vector<16xi32>
        %parallel_loop3A_101 = arith.addi %parallel_loop3A_91, %parallel_loop3A_100 : vector<16xi32>
        %parallel_loop3A_102 = tpu.vector_load_idx %arg7[%parallel_loop3A_101] : memref<40000xf32, #tpu.memory_space<vmem>>[vector<16xi32>], vector<16xf32>,
        %parallel_loop3A_103 = arith.mulf %parallel_loop3A_93, %parallel_loop3A_102 : vector<16xf32>
        %parallel_loop3A_104 = arith.constant 20000 : i32
        %parallel_loop3A_105 = vector.broadcast %parallel_loop3A_104 : i32 to vector<16xi32>
        %parallel_loop3A_106 = arith.addi %parallel_loop3A_91, %parallel_loop3A_105 : vector<16xi32>
        %parallel_loop3A_107 = tpu.vector_load_idx %arg7[%parallel_loop3A_106] : memref<40000xf32, #tpu.memory_space<vmem>>[vector<16xi32>], vector<16xf32>,
        %parallel_loop3A_108 = arith.mulf %parallel_loop3A_93, %parallel_loop3A_107 : vector<16xf32>
        %parallel_loop3A_109 = arith.constant 30000 : i32
        %parallel_loop3A_110 = vector.broadcast %parallel_loop3A_109 : i32 to vector<16xi32>
        %parallel_loop3A_111 = arith.addi %parallel_loop3A_91, %parallel_loop3A_110 : vector<16xi32>
        %parallel_loop3A_112 = tpu.vector_load_idx %arg7[%parallel_loop3A_111] : memref<40000xf32, #tpu.memory_space<vmem>>[vector<16xi32>], vector<16xf32>,
        %parallel_loop3A_113 = arith.mulf %parallel_loop3A_93, %parallel_loop3A_112 : vector<16xf32>
        %parallel_loop3A_114 = arith.constant 0 : i32
        %parallel_loop3A_115 = vector.broadcast %parallel_loop3A_114 : i32 to vector<16xi32>
        %parallel_loop3A_116 = arith.addi %parallel_loop3A_89, %parallel_loop3A_115 : vector<16xi32>
        tpu.vector_store_idx %arg8[%parallel_loop3A_116], %parallel_loop3A_98 {add = true} : memref<40000xf32, #tpu.memory_space<vmem>>[vector<16xi32>], vector<16xf32>,
        %parallel_loop3A_117 = arith.constant 10000 : i32
        %parallel_loop3A_118 = vector.broadcast %parallel_loop3A_117 : i32 to vector<16xi32>
        %parallel_loop3A_119 = arith.addi %parallel_loop3A_89, %parallel_loop3A_118 : vector<16xi32>
        tpu.vector_store_idx %arg8[%parallel_loop3A_119], %parallel_loop3A_103 {add = true} : memref<40000xf32, #tpu.memory_space<vmem>>[vector<16xi32>], vector<16xf32>,
        %parallel_loop3A_120 = arith.constant 20000 : i32
        %parallel_loop3A_121 = vector.broadcast %parallel_loop3A_120 : i32 to vector<16xi32>
        %parallel_loop3A_122 = arith.addi %parallel_loop3A_89, %parallel_loop3A_121 : vector<16xi32>
        tpu.vector_store_idx %arg8[%parallel_loop3A_122], %parallel_loop3A_108 {add = true} : memref<40000xf32, #tpu.memory_space<vmem>>[vector<16xi32>], vector<16xf32>,
        %parallel_loop3A_123 = arith.constant 30000 : i32
        %parallel_loop3A_124 = vector.broadcast %parallel_loop3A_123 : i32 to vector<16xi32>
        %parallel_loop3A_125 = arith.addi %parallel_loop3A_89, %parallel_loop3A_124 : vector<16xi32>
        tpu.vector_store_idx %arg8[%parallel_loop3A_125], %parallel_loop3A_113 {add = true} : memref<40000xf32, #tpu.memory_space<vmem>>[vector<16xi32>], vector<16xf32>,
      } {sc.loop_unroll_factor = 4 : i64, sc.parallel_access}
      %add3A_59 = arith.constant 2 : i32
      %add3A_60 = arith.addi %mul3A_43, %add3A_59 : i32
      %lt3A = arith.constant 50 : i32
      %lt3A_61 = arith.cmpi slt, %add3A_60, %lt3A : i32
      %convert_element_type3A = arith.extui %lt3A_61 : i1 to i32
      %cond3A = arith.constant 0 : i32
      %cond3A_62 = arith.cmpi ne, %convert_element_type3A, %cond3A : i32
      scf.if %cond3A_62 {
        %add3A_85 = arith.constant 2 : i32
        %add3A_86 = arith.addi %mul3A_43, %add3A_85 : i32
        %mul3A_87 = arith.constant 6400 : i32
        %mul3A_88 = arith.muli %add3A_86, %mul3A_87 : i32
        %add3A_89 = arith.constant 0 : i32
        %add3A_90 = arith.addi %add3A_89, %mul3A_88 : i32
        %dma_start3A_91 = tpu.memref_slice %arg2[%add3A_90] : memref<320000xi32, #tpu.memory_space<hbm>> -> memref<6400xi32, #tpu.memory_space<hbm>>
        %dma_start3A_92 = tpu.memref_slice %arg2[%add3A_90] : memref<320000xi32, #tpu.memory_space<hbm>> -> memref<6400xi32, #tpu.memory_space<hbm>>
        tpu.enqueue_dma source(%dma_start3A_92 : memref<6400xi32, #tpu.memory_space<hbm>>) target(%arg9 : memref<6400xi32, #tpu.memory_space<vmem>>) target_semaphore(%arg15 : memref<!tpu.dma_semaphore, #tpu.memory_space<semaphore_mem>>)
        %dma_start3A_93 = tpu.memref_slice %arg3[%add3A_90] : memref<320000xi32, #tpu.memory_space<hbm>> -> memref<6400xi32, #tpu.memory_space<hbm>>
        %dma_start3A_94 = tpu.memref_slice %arg3[%add3A_90] : memref<320000xi32, #tpu.memory_space<hbm>> -> memref<6400xi32, #tpu.memory_space<hbm>>
        tpu.enqueue_dma source(%dma_start3A_94 : memref<6400xi32, #tpu.memory_space<hbm>>) target(%arg10 : memref<6400xi32, #tpu.memory_space<vmem>>) target_semaphore(%arg15 : memref<!tpu.dma_semaphore, #tpu.memory_space<semaphore_mem>>)
        %dma_start3A_95 = tpu.memref_slice %arg4[%add3A_90] : memref<320000xf32, #tpu.memory_space<hbm>> -> memref<6400xf32, #tpu.memory_space<hbm>>
        %dma_start3A_96 = tpu.memref_slice %arg4[%add3A_90] : memref<320000xf32, #tpu.memory_space<hbm>> -> memref<6400xf32, #tpu.memory_space<hbm>>
        tpu.enqueue_dma source(%dma_start3A_96 : memref<6400xf32, #tpu.memory_space<hbm>>) target(%arg11 : memref<6400xf32, #tpu.memory_space<vmem>>) target_semaphore(%arg15 : memref<!tpu.dma_semaphore, #tpu.memory_space<semaphore_mem>>)
      } else {
      }
      %dma_wait3A_63 = arith.constant 0 : i32
      %dma_wait3A_64 = tpu.memref_slice %arg2[%dma_wait3A_63] : memref<320000xi32, #tpu.memory_space<hbm>> -> memref<6400xi32, #tpu.memory_space<hbm>>
      %dma_wait3A_65 = arith.constant 0 : i32
      %dma_wait3A_66 = tpu.memref_slice %arg2[%dma_wait3A_65] : memref<320000xi32, #tpu.memory_space<hbm>> -> memref<6400xi32, #tpu.memory_space<hbm>>
      tpu.wait_dma2 semaphore(%arg16 : memref<!tpu.dma_semaphore, #tpu.memory_space<semaphore_mem>>) src(%dma_wait3A_66 : memref<6400xi32, #tpu.memory_space<hbm>>) dst(%arg12 : memref<6400xi32, #tpu.memory_space<vmem>>)
      %dma_wait3A_67 = arith.constant 0 : i32
      %dma_wait3A_68 = tpu.memref_slice %arg3[%dma_wait3A_67] : memref<320000xi32, #tpu.memory_space<hbm>> -> memref<6400xi32, #tpu.memory_space<hbm>>
      %dma_wait3A_69 = arith.constant 0 : i32
      %dma_wait3A_70 = tpu.memref_slice %arg3[%dma_wait3A_69] : memref<320000xi32, #tpu.memory_space<hbm>> -> memref<6400xi32, #tpu.memory_space<hbm>>
      tpu.wait_dma2 semaphore(%arg16 : memref<!tpu.dma_semaphore, #tpu.memory_space<semaphore_mem>>) src(%dma_wait3A_70 : memref<6400xi32, #tpu.memory_space<hbm>>) dst(%arg13 : memref<6400xi32, #tpu.memory_space<vmem>>)
      %dma_wait3A_71 = arith.constant 0 : i32
      %dma_wait3A_72 = tpu.memref_slice %arg4[%dma_wait3A_71] : memref<320000xf32, #tpu.memory_space<hbm>> -> memref<6400xf32, #tpu.memory_space<hbm>>
      %dma_wait3A_73 = arith.constant 0 : i32
      %dma_wait3A_74 = tpu.memref_slice %arg4[%dma_wait3A_73] : memref<320000xf32, #tpu.memory_space<hbm>> -> memref<6400xf32, #tpu.memory_space<hbm>>
      tpu.wait_dma2 semaphore(%arg16 : memref<!tpu.dma_semaphore, #tpu.memory_space<semaphore_mem>>) src(%dma_wait3A_74 : memref<6400xf32, #tpu.memory_space<hbm>>) dst(%arg14 : memref<6400xf32, #tpu.memory_space<vmem>>)
      %parallel_loop3A_75 = arith.constant 0 : i32
      %parallel_loop3A_76 = arith.constant 400 : i32
      %parallel_loop3A_77 = arith.constant 1 : i32
      scf.for %parallel_loop3A_85 = %parallel_loop3A_75 to %parallel_loop3A_76 step %parallel_loop3A_77  : i32 {
        %parallel_loop3A_86 = arith.constant 16 : i32
        %parallel_loop3A_87 = arith.muli %parallel_loop3A_85, %parallel_loop3A_86 : i32
        %parallel_loop3A_88 = arith.index_cast %parallel_loop3A_87 : i32 to index
        %parallel_loop3A_89 = tpu.vector_load %arg12[%parallel_loop3A_88] {strides = array<i32>} : memref<6400xi32, #tpu.memory_space<vmem>>, vector<16xi32>,
        %parallel_loop3A_90 = arith.index_cast %parallel_loop3A_87 : i32 to index
        %parallel_loop3A_91 = tpu.vector_load %arg13[%parallel_loop3A_90] {strides = array<i32>} : memref<6400xi32, #tpu.memory_space<vmem>>, vector<16xi32>,
        %parallel_loop3A_92 = arith.index_cast %parallel_loop3A_87 : i32 to index
        %parallel_loop3A_93 = tpu.vector_load %arg14[%parallel_loop3A_92] {strides = array<i32>} : memref<6400xf32, #tpu.memory_space<vmem>>, vector<16xf32>,
        %parallel_loop3A_94 = arith.constant 0 : i32
        %parallel_loop3A_95 = vector.broadcast %parallel_loop3A_94 : i32 to vector<16xi32>
        %parallel_loop3A_96 = arith.addi %parallel_loop3A_91, %parallel_loop3A_95 : vector<16xi32>
        %parallel_loop3A_97 = tpu.vector_load_idx %arg7[%parallel_loop3A_96] : memref<40000xf32, #tpu.memory_space<vmem>>[vector<16xi32>], vector<16xf32>,
        %parallel_loop3A_98 = arith.mulf %parallel_loop3A_93, %parallel_loop3A_97 : vector<16xf32>
        %parallel_loop3A_99 = arith.constant 10000 : i32
        %parallel_loop3A_100 = vector.broadcast %parallel_loop3A_99 : i32 to vector<16xi32>
        %parallel_loop3A_101 = arith.addi %parallel_loop3A_91, %parallel_loop3A_100 : vector<16xi32>
        %parallel_loop3A_102 = tpu.vector_load_idx %arg7[%parallel_loop3A_101] : memref<40000xf32, #tpu.memory_space<vmem>>[vector<16xi32>], vector<16xf32>,
        %parallel_loop3A_103 = arith.mulf %parallel_loop3A_93, %parallel_loop3A_102 : vector<16xf32>
        %parallel_loop3A_104 = arith.constant 20000 : i32
        %parallel_loop3A_105 = vector.broadcast %parallel_loop3A_104 : i32 to vector<16xi32>
        %parallel_loop3A_106 = arith.addi %parallel_loop3A_91, %parallel_loop3A_105 : vector<16xi32>
        %parallel_loop3A_107 = tpu.vector_load_idx %arg7[%parallel_loop3A_106] : memref<40000xf32, #tpu.memory_space<vmem>>[vector<16xi32>], vector<16xf32>,
        %parallel_loop3A_108 = arith.mulf %parallel_loop3A_93, %parallel_loop3A_107 : vector<16xf32>
        %parallel_loop3A_109 = arith.constant 30000 : i32
        %parallel_loop3A_110 = vector.broadcast %parallel_loop3A_109 : i32 to vector<16xi32>
        %parallel_loop3A_111 = arith.addi %parallel_loop3A_91, %parallel_loop3A_110 : vector<16xi32>
        %parallel_loop3A_112 = tpu.vector_load_idx %arg7[%parallel_loop3A_111] : memref<40000xf32, #tpu.memory_space<vmem>>[vector<16xi32>], vector<16xf32>,
        %parallel_loop3A_113 = arith.mulf %parallel_loop3A_93, %parallel_loop3A_112 : vector<16xf32>
        %parallel_loop3A_114 = arith.constant 0 : i32
        %parallel_loop3A_115 = vector.broadcast %parallel_loop3A_114 : i32 to vector<16xi32>
        %parallel_loop3A_116 = arith.addi %parallel_loop3A_89, %parallel_loop3A_115 : vector<16xi32>
        tpu.vector_store_idx %arg8[%parallel_loop3A_116], %parallel_loop3A_98 {add = true} : memref<40000xf32, #tpu.memory_space<vmem>>[vector<16xi32>], vector<16xf32>,
        %parallel_loop3A_117 = arith.constant 10000 : i32
        %parallel_loop3A_118 = vector.broadcast %parallel_loop3A_117 : i32 to vector<16xi32>
        %parallel_loop3A_119 = arith.addi %parallel_loop3A_89, %parallel_loop3A_118 : vector<16xi32>
        tpu.vector_store_idx %arg8[%parallel_loop3A_119], %parallel_loop3A_103 {add = true} : memref<40000xf32, #tpu.memory_space<vmem>>[vector<16xi32>], vector<16xf32>,
        %parallel_loop3A_120 = arith.constant 20000 : i32
        %parallel_loop3A_121 = vector.broadcast %parallel_loop3A_120 : i32 to vector<16xi32>
        %parallel_loop3A_122 = arith.addi %parallel_loop3A_89, %parallel_loop3A_121 : vector<16xi32>
        tpu.vector_store_idx %arg8[%parallel_loop3A_122], %parallel_loop3A_108 {add = true} : memref<40000xf32, #tpu.memory_space<vmem>>[vector<16xi32>], vector<16xf32>,
        %parallel_loop3A_123 = arith.constant 30000 : i32
        %parallel_loop3A_124 = vector.broadcast %parallel_loop3A_123 : i32 to vector<16xi32>
        %parallel_loop3A_125 = arith.addi %parallel_loop3A_89, %parallel_loop3A_124 : vector<16xi32>
        tpu.vector_store_idx %arg8[%parallel_loop3A_125], %parallel_loop3A_113 {add = true} : memref<40000xf32, #tpu.memory_space<vmem>>[vector<16xi32>], vector<16xf32>,
      } {sc.loop_unroll_factor = 4 : i64, sc.parallel_access}
      %add3A_78 = arith.constant 3 : i32
      %add3A_79 = arith.addi %mul3A_43, %add3A_78 : i32
      %lt3A_80 = arith.constant 50 : i32
      %lt3A_81 = arith.cmpi slt, %add3A_79, %lt3A_80 : i32
      %convert_element_type3A_82 = arith.extui %lt3A_81 : i1 to i32
      %cond3A_83 = arith.constant 0 : i32
      %cond3A_84 = arith.cmpi ne, %convert_element_type3A_82, %cond3A_83 : i32
      scf.if %cond3A_84 {
        %add3A_85 = arith.constant 3 : i32
        %add3A_86 = arith.addi %mul3A_43, %add3A_85 : i32
        %mul3A_87 = arith.constant 6400 : i32
        %mul3A_88 = arith.muli %add3A_86, %mul3A_87 : i32
        %add3A_89 = arith.constant 0 : i32
        %add3A_90 = arith.addi %add3A_89, %mul3A_88 : i32
        %dma_start3A_91 = tpu.memref_slice %arg2[%add3A_90] : memref<320000xi32, #tpu.memory_space<hbm>> -> memref<6400xi32, #tpu.memory_space<hbm>>
        %dma_start3A_92 = tpu.memref_slice %arg2[%add3A_90] : memref<320000xi32, #tpu.memory_space<hbm>> -> memref<6400xi32, #tpu.memory_space<hbm>>
        tpu.enqueue_dma source(%dma_start3A_92 : memref<6400xi32, #tpu.memory_space<hbm>>) target(%arg12 : memref<6400xi32, #tpu.memory_space<vmem>>) target_semaphore(%arg16 : memref<!tpu.dma_semaphore, #tpu.memory_space<semaphore_mem>>)
        %dma_start3A_93 = tpu.memref_slice %arg3[%add3A_90] : memref<320000xi32, #tpu.memory_space<hbm>> -> memref<6400xi32, #tpu.memory_space<hbm>>
        %dma_start3A_94 = tpu.memref_slice %arg3[%add3A_90] : memref<320000xi32, #tpu.memory_space<hbm>> -> memref<6400xi32, #tpu.memory_space<hbm>>
        tpu.enqueue_dma source(%dma_start3A_94 : memref<6400xi32, #tpu.memory_space<hbm>>) target(%arg13 : memref<6400xi32, #tpu.memory_space<vmem>>) target_semaphore(%arg16 : memref<!tpu.dma_semaphore, #tpu.memory_space<semaphore_mem>>)
        %dma_start3A_95 = tpu.memref_slice %arg4[%add3A_90] : memref<320000xf32, #tpu.memory_space<hbm>> -> memref<6400xf32, #tpu.memory_space<hbm>>
        %dma_start3A_96 = tpu.memref_slice %arg4[%add3A_90] : memref<320000xf32, #tpu.memory_space<hbm>> -> memref<6400xf32, #tpu.memory_space<hbm>>
        tpu.enqueue_dma source(%dma_start3A_96 : memref<6400xf32, #tpu.memory_space<hbm>>) target(%arg14 : memref<6400xf32, #tpu.memory_space<vmem>>) target_semaphore(%arg16 : memref<!tpu.dma_semaphore, #tpu.memory_space<semaphore_mem>>)
      } else {
      }
    }
    %scan3A_37 = arith.constant 25 : i32
    %parallel_loop3A_38 = arith.constant 0 : i32
    %parallel_loop3A_39 = arith.constant 2500 : i32
    %parallel_loop3A_40 = arith.constant 1 : i32
    scf.for %parallel_loop3A_41 = %parallel_loop3A_38 to %parallel_loop3A_39 step %parallel_loop3A_40  : i32 {
      %parallel_loop3A_42 = arith.constant 16 : i32
      %parallel_loop3A_43 = arith.muli %parallel_loop3A_41, %parallel_loop3A_42 : i32
      %parallel_loop3A_44 = arith.index_cast %parallel_loop3A_43 : i32 to index
      %parallel_loop3A_45 = tpu.vector_load %arg8[%parallel_loop3A_44] {strides = array<i32>} : memref<40000xf32, #tpu.memory_space<vmem>>, vector<16xf32>,
      %parallel_loop3A_46 = arith.constant 0.000000e+00 : f32
      %parallel_loop3A_47 = vector.broadcast %parallel_loop3A_46 : f32 to vector<16xf32>
      %parallel_loop3A_48 = arith.maximumf %parallel_loop3A_45, %parallel_loop3A_47 : vector<16xf32>
      %parallel_loop3A_49 = arith.index_cast %parallel_loop3A_43 : i32 to index
      %parallel_loop3A_50 = tpu.vector_load %arg8[%parallel_loop3A_49] {strides = array<i32>} : memref<40000xf32, #tpu.memory_space<vmem>>, vector<16xf32>,
      tpu.vector_store %arg8[%parallel_loop3A_49], %parallel_loop3A_48 {strides = array<i32>} : memref<40000xf32, #tpu.memory_space<vmem>>, vector<16xf32>,
    } {sc.loop_unroll_factor = 4 : i64, sc.parallel_access}
    "tpu.region"() ({
      %run_scoped3A = tpu.sem_alloc : memref<!tpu.dma_semaphore, #tpu.memory_space<semaphore_mem>>
      %dma_start3A_41 = arith.constant 0 : i32
      %dma_start3A_42 = tpu.memref_slice %arg6[%add3A, %dma_start3A_41] : memref<32x40000xf32, #tpu.memory_space<hbm>> -> memref<1x40000xf32, #tpu.memory_space<hbm>>
      %dma_start3A_43 = tpu.memref_squeeze %dma_start3A_42 : memref<1x40000xf32, #tpu.memory_space<hbm>> -> memref<40000xf32, #tpu.memory_space<hbm>>
      %dma_start3A_44 = arith.constant 0 : i32
      %dma_start3A_45 = tpu.memref_slice %arg6[%add3A, %dma_start3A_44] : memref<32x40000xf32, #tpu.memory_space<hbm>> -> memref<1x40000xf32, #tpu.memory_space<hbm>>
      %dma_start3A_46 = tpu.memref_squeeze %dma_start3A_45 : memref<1x40000xf32, #tpu.memory_space<hbm>> -> memref<40000xf32, #tpu.memory_space<hbm>>
      tpu.enqueue_dma source(%arg8 : memref<40000xf32, #tpu.memory_space<vmem>>) target(%dma_start3A_46 : memref<40000xf32, #tpu.memory_space<hbm>>) target_semaphore(%run_scoped3A : memref<!tpu.dma_semaphore, #tpu.memory_space<semaphore_mem>>)
      %dma_wait3A_47 = arith.constant 0 : i32
      %dma_wait3A_48 = tpu.memref_slice %arg6[%add3A, %dma_wait3A_47] : memref<32x40000xf32, #tpu.memory_space<hbm>> -> memref<1x40000xf32, #tpu.memory_space<hbm>>
      %dma_wait3A_49 = tpu.memref_squeeze %dma_wait3A_48 : memref<1x40000xf32, #tpu.memory_space<hbm>> -> memref<40000xf32, #tpu.memory_space<hbm>>
      %dma_wait3A_50 = arith.constant 0 : i32
      %dma_wait3A_51 = tpu.memref_slice %arg6[%add3A, %dma_wait3A_50] : memref<32x40000xf32, #tpu.memory_space<hbm>> -> memref<1x40000xf32, #tpu.memory_space<hbm>>
      %dma_wait3A_52 = tpu.memref_squeeze %dma_wait3A_51 : memref<1x40000xf32, #tpu.memory_space<hbm>> -> memref<40000xf32, #tpu.memory_space<hbm>>
      tpu.wait_dma2 semaphore(%run_scoped3A : memref<!tpu.dma_semaphore, #tpu.memory_space<semaphore_mem>>) src(%arg8 : memref<40000xf32, #tpu.memory_space<vmem>>) dst(%dma_wait3A_52 : memref<40000xf32, #tpu.memory_space<hbm>>)
      tpu.yield
    }) : () -> ()
    return
  }
}

#map = affine_map<(d0, d1) -> (0)>
module attributes {stable_mosaic.version = 14 : i64} {
  func.func @_densify_body(%arg0: i32, %arg1: i32, %arg2: memref<320000xi32, #tpu.memory_space<hbm>>, %arg3: memref<320000xi32, #tpu.memory_space<hbm>>, %arg4: memref<320000xf32, #tpu.memory_space<hbm>>, %arg5: memref<2560000xf32, #tpu.memory_space<hbm>>, %arg6: memref<80000xf32, #tpu.memory_space<vmem>>, %arg7: memref<8000xi32, #tpu.memory_space<vmem>>, %arg8: memref<8000xi32, #tpu.memory_space<vmem>>, %arg9: memref<8000xf32, #tpu.memory_space<vmem>>, %arg10: memref<8000xi32, #tpu.memory_space<vmem>>, %arg11: memref<8000xi32, #tpu.memory_space<vmem>>, %arg12: memref<8000xf32, #tpu.memory_space<vmem>>, %arg13: memref<!tpu.dma_semaphore, #tpu.memory_space<semaphore_mem>>, %arg14: memref<!tpu.dma_semaphore, #tpu.memory_space<semaphore_mem>>) attributes {dimension_semantics = [#tpu.dimension_semantics<core_parallel>, #tpu.dimension_semantics<subcore_parallel>], iteration_bounds = array<i64: 2, 16>, scalar_prefetch = 0 : i64, scratch_operands = 9 : i64, tpu.core_type = #tpu.core_type<sc_vector_subcore>, window_params = [{transform_indices = #map}, {transform_indices = #map}, {transform_indices = #map}, {transform_indices = #map}]} {
    %mul3A = arith.constant 8 : i32
    %mul3A_0 = arith.muli %arg1, %mul3A : i32
    %mul3A_1 = arith.constant 160000 : i32
    %mul3A_2 = arith.muli %arg0, %mul3A_1 : i32
    %parallel_loop3A = arith.constant 0 : i32
    %parallel_loop3A_3 = arith.constant 5000 : i32
    %parallel_loop3A_4 = arith.constant 1 : i32
    scf.for %parallel_loop3A_31 = %parallel_loop3A to %parallel_loop3A_3 step %parallel_loop3A_4  : i32 {
      %parallel_loop3A_32 = arith.constant 0.000000e+00 : f32
      %parallel_loop3A_33 = vector.broadcast %parallel_loop3A_32 : f32 to vector<16xf32>
      %parallel_loop3A_34 = arith.constant 16 : i32
      %parallel_loop3A_35 = arith.muli %parallel_loop3A_31, %parallel_loop3A_34 : i32
      %parallel_loop3A_36 = arith.index_cast %parallel_loop3A_35 : i32 to index
      %parallel_loop3A_37 = tpu.vector_load %arg6[%parallel_loop3A_36] {strides = array<i32>} : memref<80000xf32, #tpu.memory_space<vmem>>, vector<16xf32>,
      tpu.vector_store %arg6[%parallel_loop3A_36], %parallel_loop3A_33 {strides = array<i32>} : memref<80000xf32, #tpu.memory_space<vmem>>, vector<16xf32>,
    } {sc.loop_unroll_factor = 4 : i64, sc.parallel_access}
    %add3A = arith.constant 0 : i32
    %add3A_5 = arith.addi %mul3A_2, %add3A : i32
    %dma_start3A = tpu.memref_slice %arg2[%add3A_5] : memref<320000xi32, #tpu.memory_space<hbm>> -> memref<8000xi32, #tpu.memory_space<hbm>>
    %dma_start3A_6 = tpu.memref_slice %arg2[%add3A_5] : memref<320000xi32, #tpu.memory_space<hbm>> -> memref<8000xi32, #tpu.memory_space<hbm>>
    tpu.enqueue_dma source(%dma_start3A_6 : memref<8000xi32, #tpu.memory_space<hbm>>) target(%arg7 : memref<8000xi32, #tpu.memory_space<vmem>>) target_semaphore(%arg13 : memref<!tpu.dma_semaphore, #tpu.memory_space<semaphore_mem>>)
    %dma_start3A_7 = tpu.memref_slice %arg3[%add3A_5] : memref<320000xi32, #tpu.memory_space<hbm>> -> memref<8000xi32, #tpu.memory_space<hbm>>
    %dma_start3A_8 = tpu.memref_slice %arg3[%add3A_5] : memref<320000xi32, #tpu.memory_space<hbm>> -> memref<8000xi32, #tpu.memory_space<hbm>>
    tpu.enqueue_dma source(%dma_start3A_8 : memref<8000xi32, #tpu.memory_space<hbm>>) target(%arg8 : memref<8000xi32, #tpu.memory_space<vmem>>) target_semaphore(%arg13 : memref<!tpu.dma_semaphore, #tpu.memory_space<semaphore_mem>>)
    %dma_start3A_9 = tpu.memref_slice %arg4[%add3A_5] : memref<320000xf32, #tpu.memory_space<hbm>> -> memref<8000xf32, #tpu.memory_space<hbm>>
    %dma_start3A_10 = tpu.memref_slice %arg4[%add3A_5] : memref<320000xf32, #tpu.memory_space<hbm>> -> memref<8000xf32, #tpu.memory_space<hbm>>
    tpu.enqueue_dma source(%dma_start3A_10 : memref<8000xf32, #tpu.memory_space<hbm>>) target(%arg9 : memref<8000xf32, #tpu.memory_space<vmem>>) target_semaphore(%arg13 : memref<!tpu.dma_semaphore, #tpu.memory_space<semaphore_mem>>)
    %add3A_11 = arith.constant 8000 : i32
    %add3A_12 = arith.addi %mul3A_2, %add3A_11 : i32
    %dma_start3A_13 = tpu.memref_slice %arg2[%add3A_12] : memref<320000xi32, #tpu.memory_space<hbm>> -> memref<8000xi32, #tpu.memory_space<hbm>>
    %dma_start3A_14 = tpu.memref_slice %arg2[%add3A_12] : memref<320000xi32, #tpu.memory_space<hbm>> -> memref<8000xi32, #tpu.memory_space<hbm>>
    tpu.enqueue_dma source(%dma_start3A_14 : memref<8000xi32, #tpu.memory_space<hbm>>) target(%arg10 : memref<8000xi32, #tpu.memory_space<vmem>>) target_semaphore(%arg14 : memref<!tpu.dma_semaphore, #tpu.memory_space<semaphore_mem>>)
    %dma_start3A_15 = tpu.memref_slice %arg3[%add3A_12] : memref<320000xi32, #tpu.memory_space<hbm>> -> memref<8000xi32, #tpu.memory_space<hbm>>
    %dma_start3A_16 = tpu.memref_slice %arg3[%add3A_12] : memref<320000xi32, #tpu.memory_space<hbm>> -> memref<8000xi32, #tpu.memory_space<hbm>>
    tpu.enqueue_dma source(%dma_start3A_16 : memref<8000xi32, #tpu.memory_space<hbm>>) target(%arg11 : memref<8000xi32, #tpu.memory_space<vmem>>) target_semaphore(%arg14 : memref<!tpu.dma_semaphore, #tpu.memory_space<semaphore_mem>>)
    %dma_start3A_17 = tpu.memref_slice %arg4[%add3A_12] : memref<320000xf32, #tpu.memory_space<hbm>> -> memref<8000xf32, #tpu.memory_space<hbm>>
    %dma_start3A_18 = tpu.memref_slice %arg4[%add3A_12] : memref<320000xf32, #tpu.memory_space<hbm>> -> memref<8000xf32, #tpu.memory_space<hbm>>
    tpu.enqueue_dma source(%dma_start3A_18 : memref<8000xf32, #tpu.memory_space<hbm>>) target(%arg12 : memref<8000xf32, #tpu.memory_space<vmem>>) target_semaphore(%arg14 : memref<!tpu.dma_semaphore, #tpu.memory_space<semaphore_mem>>)
    %scan3A = arith.constant 0 : i32
    %scan3A_19 = arith.constant 0 : i32
    %scan3A_20 = arith.constant 10 : i32
    %scan3A_21 = arith.addi %scan3A_19, %scan3A_20 : i32
    %scan3A_22 = arith.constant 1 : i32
    scf.for %scan3A_31 = %scan3A_19 to %scan3A_21 step %scan3A_22  : i32 {
      %mul3A_32 = arith.constant 2 : i32
      %mul3A_33 = arith.muli %scan3A_31, %mul3A_32 : i32
      %dma_wait3A = arith.constant 0 : i32
      %dma_wait3A_34 = tpu.memref_slice %arg2[%dma_wait3A] : memref<320000xi32, #tpu.memory_space<hbm>> -> memref<8000xi32, #tpu.memory_space<hbm>>
      %dma_wait3A_35 = arith.constant 0 : i32
      %dma_wait3A_36 = tpu.memref_slice %arg2[%dma_wait3A_35] : memref<320000xi32, #tpu.memory_space<hbm>> -> memref<8000xi32, #tpu.memory_space<hbm>>
      tpu.wait_dma2 semaphore(%arg13 : memref<!tpu.dma_semaphore, #tpu.memory_space<semaphore_mem>>) src(%dma_wait3A_36 : memref<8000xi32, #tpu.memory_space<hbm>>) dst(%arg7 : memref<8000xi32, #tpu.memory_space<vmem>>)
      %dma_wait3A_37 = arith.constant 0 : i32
      %dma_wait3A_38 = tpu.memref_slice %arg3[%dma_wait3A_37] : memref<320000xi32, #tpu.memory_space<hbm>> -> memref<8000xi32, #tpu.memory_space<hbm>>
      %dma_wait3A_39 = arith.constant 0 : i32
      %dma_wait3A_40 = tpu.memref_slice %arg3[%dma_wait3A_39] : memref<320000xi32, #tpu.memory_space<hbm>> -> memref<8000xi32, #tpu.memory_space<hbm>>
      tpu.wait_dma2 semaphore(%arg13 : memref<!tpu.dma_semaphore, #tpu.memory_space<semaphore_mem>>) src(%dma_wait3A_40 : memref<8000xi32, #tpu.memory_space<hbm>>) dst(%arg8 : memref<8000xi32, #tpu.memory_space<vmem>>)
      %dma_wait3A_41 = arith.constant 0 : i32
      %dma_wait3A_42 = tpu.memref_slice %arg4[%dma_wait3A_41] : memref<320000xf32, #tpu.memory_space<hbm>> -> memref<8000xf32, #tpu.memory_space<hbm>>
      %dma_wait3A_43 = arith.constant 0 : i32
      %dma_wait3A_44 = tpu.memref_slice %arg4[%dma_wait3A_43] : memref<320000xf32, #tpu.memory_space<hbm>> -> memref<8000xf32, #tpu.memory_space<hbm>>
      tpu.wait_dma2 semaphore(%arg13 : memref<!tpu.dma_semaphore, #tpu.memory_space<semaphore_mem>>) src(%dma_wait3A_44 : memref<8000xf32, #tpu.memory_space<hbm>>) dst(%arg9 : memref<8000xf32, #tpu.memory_space<vmem>>)
      %parallel_loop3A_45 = arith.constant 0 : i32
      %parallel_loop3A_46 = arith.constant 500 : i32
      %parallel_loop3A_47 = arith.constant 1 : i32
      scf.for %parallel_loop3A_74 = %parallel_loop3A_45 to %parallel_loop3A_46 step %parallel_loop3A_47  : i32 {
        %parallel_loop3A_75 = arith.constant 16 : i32
        %parallel_loop3A_76 = arith.muli %parallel_loop3A_74, %parallel_loop3A_75 : i32
        %parallel_loop3A_77 = arith.index_cast %parallel_loop3A_76 : i32 to index
        %parallel_loop3A_78 = tpu.vector_load %arg7[%parallel_loop3A_77] {strides = array<i32>} : memref<8000xi32, #tpu.memory_space<vmem>>, vector<16xi32>,
        %parallel_loop3A_79 = arith.index_cast %parallel_loop3A_76 : i32 to index
        %parallel_loop3A_80 = tpu.vector_load %arg8[%parallel_loop3A_79] {strides = array<i32>} : memref<8000xi32, #tpu.memory_space<vmem>>, vector<16xi32>,
        %parallel_loop3A_81 = vector.broadcast %mul3A_0 : i32 to vector<16xi32>
        %parallel_loop3A_82 = arith.subi %parallel_loop3A_80, %parallel_loop3A_81 : vector<16xi32>
        %parallel_loop3A_83 = arith.index_cast %parallel_loop3A_76 : i32 to index
        %parallel_loop3A_84 = tpu.vector_load %arg9[%parallel_loop3A_83] {strides = array<i32>} : memref<8000xf32, #tpu.memory_space<vmem>>, vector<16xf32>,
        %parallel_loop3A_85 = arith.constant 0 : i32
        %parallel_loop3A_86 = vector.broadcast %parallel_loop3A_85 : i32 to vector<16xi32>
        %parallel_loop3A_87 = arith.cmpi sge, %parallel_loop3A_82, %parallel_loop3A_86 : vector<16xi32>
        %parallel_loop3A_88 = arith.constant 8 : i32
        %parallel_loop3A_89 = vector.broadcast %parallel_loop3A_88 : i32 to vector<16xi32>
        %parallel_loop3A_90 = arith.cmpi slt, %parallel_loop3A_82, %parallel_loop3A_89 : vector<16xi32>
        %parallel_loop3A_91 = arith.andi %parallel_loop3A_87, %parallel_loop3A_90 : vector<16xi1>
        %parallel_loop3A_92 = arith.constant 10000 : i32
        %parallel_loop3A_93 = vector.broadcast %parallel_loop3A_92 : i32 to vector<16xi32>
        %parallel_loop3A_94 = arith.muli %parallel_loop3A_82, %parallel_loop3A_93 : vector<16xi32>
        %parallel_loop3A_95 = arith.addi %parallel_loop3A_94, %parallel_loop3A_78 : vector<16xi32>
        tpu.vector_store_idx %arg6[%parallel_loop3A_95], %parallel_loop3A_84 masked %parallel_loop3A_91 {add = true} : memref<80000xf32, #tpu.memory_space<vmem>>[vector<16xi32>], vector<16xf32>, vector<16xi1>
      } {sc.loop_unroll_factor = 4 : i64, sc.parallel_access}
      %add3A_48 = arith.constant 2 : i32
      %add3A_49 = arith.addi %mul3A_33, %add3A_48 : i32
      %lt3A = arith.constant 20 : i32
      %lt3A_50 = arith.cmpi slt, %add3A_49, %lt3A : i32
      %convert_element_type3A = arith.extui %lt3A_50 : i1 to i32
      %cond3A = arith.constant 0 : i32
      %cond3A_51 = arith.cmpi ne, %convert_element_type3A, %cond3A : i32
      scf.if %cond3A_51 {
        %add3A_74 = arith.constant 2 : i32
        %add3A_75 = arith.addi %mul3A_33, %add3A_74 : i32
        %mul3A_76 = arith.constant 8000 : i32
        %mul3A_77 = arith.muli %add3A_75, %mul3A_76 : i32
        %add3A_78 = arith.addi %mul3A_2, %mul3A_77 : i32
        %dma_start3A_79 = tpu.memref_slice %arg2[%add3A_78] : memref<320000xi32, #tpu.memory_space<hbm>> -> memref<8000xi32, #tpu.memory_space<hbm>>
        %dma_start3A_80 = tpu.memref_slice %arg2[%add3A_78] : memref<320000xi32, #tpu.memory_space<hbm>> -> memref<8000xi32, #tpu.memory_space<hbm>>
        tpu.enqueue_dma source(%dma_start3A_80 : memref<8000xi32, #tpu.memory_space<hbm>>) target(%arg7 : memref<8000xi32, #tpu.memory_space<vmem>>) target_semaphore(%arg13 : memref<!tpu.dma_semaphore, #tpu.memory_space<semaphore_mem>>)
        %dma_start3A_81 = tpu.memref_slice %arg3[%add3A_78] : memref<320000xi32, #tpu.memory_space<hbm>> -> memref<8000xi32, #tpu.memory_space<hbm>>
        %dma_start3A_82 = tpu.memref_slice %arg3[%add3A_78] : memref<320000xi32, #tpu.memory_space<hbm>> -> memref<8000xi32, #tpu.memory_space<hbm>>
        tpu.enqueue_dma source(%dma_start3A_82 : memref<8000xi32, #tpu.memory_space<hbm>>) target(%arg8 : memref<8000xi32, #tpu.memory_space<vmem>>) target_semaphore(%arg13 : memref<!tpu.dma_semaphore, #tpu.memory_space<semaphore_mem>>)
        %dma_start3A_83 = tpu.memref_slice %arg4[%add3A_78] : memref<320000xf32, #tpu.memory_space<hbm>> -> memref<8000xf32, #tpu.memory_space<hbm>>
        %dma_start3A_84 = tpu.memref_slice %arg4[%add3A_78] : memref<320000xf32, #tpu.memory_space<hbm>> -> memref<8000xf32, #tpu.memory_space<hbm>>
        tpu.enqueue_dma source(%dma_start3A_84 : memref<8000xf32, #tpu.memory_space<hbm>>) target(%arg9 : memref<8000xf32, #tpu.memory_space<vmem>>) target_semaphore(%arg13 : memref<!tpu.dma_semaphore, #tpu.memory_space<semaphore_mem>>)
      } else {
      }
      %dma_wait3A_52 = arith.constant 0 : i32
      %dma_wait3A_53 = tpu.memref_slice %arg2[%dma_wait3A_52] : memref<320000xi32, #tpu.memory_space<hbm>> -> memref<8000xi32, #tpu.memory_space<hbm>>
      %dma_wait3A_54 = arith.constant 0 : i32
      %dma_wait3A_55 = tpu.memref_slice %arg2[%dma_wait3A_54] : memref<320000xi32, #tpu.memory_space<hbm>> -> memref<8000xi32, #tpu.memory_space<hbm>>
      tpu.wait_dma2 semaphore(%arg14 : memref<!tpu.dma_semaphore, #tpu.memory_space<semaphore_mem>>) src(%dma_wait3A_55 : memref<8000xi32, #tpu.memory_space<hbm>>) dst(%arg10 : memref<8000xi32, #tpu.memory_space<vmem>>)
      %dma_wait3A_56 = arith.constant 0 : i32
      %dma_wait3A_57 = tpu.memref_slice %arg3[%dma_wait3A_56] : memref<320000xi32, #tpu.memory_space<hbm>> -> memref<8000xi32, #tpu.memory_space<hbm>>
      %dma_wait3A_58 = arith.constant 0 : i32
      %dma_wait3A_59 = tpu.memref_slice %arg3[%dma_wait3A_58] : memref<320000xi32, #tpu.memory_space<hbm>> -> memref<8000xi32, #tpu.memory_space<hbm>>
      tpu.wait_dma2 semaphore(%arg14 : memref<!tpu.dma_semaphore, #tpu.memory_space<semaphore_mem>>) src(%dma_wait3A_59 : memref<8000xi32, #tpu.memory_space<hbm>>) dst(%arg11 : memref<8000xi32, #tpu.memory_space<vmem>>)
      %dma_wait3A_60 = arith.constant 0 : i32
      %dma_wait3A_61 = tpu.memref_slice %arg4[%dma_wait3A_60] : memref<320000xf32, #tpu.memory_space<hbm>> -> memref<8000xf32, #tpu.memory_space<hbm>>
      %dma_wait3A_62 = arith.constant 0 : i32
      %dma_wait3A_63 = tpu.memref_slice %arg4[%dma_wait3A_62] : memref<320000xf32, #tpu.memory_space<hbm>> -> memref<8000xf32, #tpu.memory_space<hbm>>
      tpu.wait_dma2 semaphore(%arg14 : memref<!tpu.dma_semaphore, #tpu.memory_space<semaphore_mem>>) src(%dma_wait3A_63 : memref<8000xf32, #tpu.memory_space<hbm>>) dst(%arg12 : memref<8000xf32, #tpu.memory_space<vmem>>)
      %parallel_loop3A_64 = arith.constant 0 : i32
      %parallel_loop3A_65 = arith.constant 500 : i32
      %parallel_loop3A_66 = arith.constant 1 : i32
      scf.for %parallel_loop3A_74 = %parallel_loop3A_64 to %parallel_loop3A_65 step %parallel_loop3A_66  : i32 {
        %parallel_loop3A_75 = arith.constant 16 : i32
        %parallel_loop3A_76 = arith.muli %parallel_loop3A_74, %parallel_loop3A_75 : i32
        %parallel_loop3A_77 = arith.index_cast %parallel_loop3A_76 : i32 to index
        %parallel_loop3A_78 = tpu.vector_load %arg10[%parallel_loop3A_77] {strides = array<i32>} : memref<8000xi32, #tpu.memory_space<vmem>>, vector<16xi32>,
        %parallel_loop3A_79 = arith.index_cast %parallel_loop3A_76 : i32 to index
        %parallel_loop3A_80 = tpu.vector_load %arg11[%parallel_loop3A_79] {strides = array<i32>} : memref<8000xi32, #tpu.memory_space<vmem>>, vector<16xi32>,
        %parallel_loop3A_81 = vector.broadcast %mul3A_0 : i32 to vector<16xi32>
        %parallel_loop3A_82 = arith.subi %parallel_loop3A_80, %parallel_loop3A_81 : vector<16xi32>
        %parallel_loop3A_83 = arith.index_cast %parallel_loop3A_76 : i32 to index
        %parallel_loop3A_84 = tpu.vector_load %arg12[%parallel_loop3A_83] {strides = array<i32>} : memref<8000xf32, #tpu.memory_space<vmem>>, vector<16xf32>,
        %parallel_loop3A_85 = arith.constant 0 : i32
        %parallel_loop3A_86 = vector.broadcast %parallel_loop3A_85 : i32 to vector<16xi32>
        %parallel_loop3A_87 = arith.cmpi sge, %parallel_loop3A_82, %parallel_loop3A_86 : vector<16xi32>
        %parallel_loop3A_88 = arith.constant 8 : i32
        %parallel_loop3A_89 = vector.broadcast %parallel_loop3A_88 : i32 to vector<16xi32>
        %parallel_loop3A_90 = arith.cmpi slt, %parallel_loop3A_82, %parallel_loop3A_89 : vector<16xi32>
        %parallel_loop3A_91 = arith.andi %parallel_loop3A_87, %parallel_loop3A_90 : vector<16xi1>
        %parallel_loop3A_92 = arith.constant 10000 : i32
        %parallel_loop3A_93 = vector.broadcast %parallel_loop3A_92 : i32 to vector<16xi32>
        %parallel_loop3A_94 = arith.muli %parallel_loop3A_82, %parallel_loop3A_93 : vector<16xi32>
        %parallel_loop3A_95 = arith.addi %parallel_loop3A_94, %parallel_loop3A_78 : vector<16xi32>
        tpu.vector_store_idx %arg6[%parallel_loop3A_95], %parallel_loop3A_84 masked %parallel_loop3A_91 {add = true} : memref<80000xf32, #tpu.memory_space<vmem>>[vector<16xi32>], vector<16xf32>, vector<16xi1>
      } {sc.loop_unroll_factor = 4 : i64, sc.parallel_access}
      %add3A_67 = arith.constant 3 : i32
      %add3A_68 = arith.addi %mul3A_33, %add3A_67 : i32
      %lt3A_69 = arith.constant 20 : i32
      %lt3A_70 = arith.cmpi slt, %add3A_68, %lt3A_69 : i32
      %convert_element_type3A_71 = arith.extui %lt3A_70 : i1 to i32
      %cond3A_72 = arith.constant 0 : i32
      %cond3A_73 = arith.cmpi ne, %convert_element_type3A_71, %cond3A_72 : i32
      scf.if %cond3A_73 {
        %add3A_74 = arith.constant 3 : i32
        %add3A_75 = arith.addi %mul3A_33, %add3A_74 : i32
        %mul3A_76 = arith.constant 8000 : i32
        %mul3A_77 = arith.muli %add3A_75, %mul3A_76 : i32
        %add3A_78 = arith.addi %mul3A_2, %mul3A_77 : i32
        %dma_start3A_79 = tpu.memref_slice %arg2[%add3A_78] : memref<320000xi32, #tpu.memory_space<hbm>> -> memref<8000xi32, #tpu.memory_space<hbm>>
        %dma_start3A_80 = tpu.memref_slice %arg2[%add3A_78] : memref<320000xi32, #tpu.memory_space<hbm>> -> memref<8000xi32, #tpu.memory_space<hbm>>
        tpu.enqueue_dma source(%dma_start3A_80 : memref<8000xi32, #tpu.memory_space<hbm>>) target(%arg10 : memref<8000xi32, #tpu.memory_space<vmem>>) target_semaphore(%arg14 : memref<!tpu.dma_semaphore, #tpu.memory_space<semaphore_mem>>)
        %dma_start3A_81 = tpu.memref_slice %arg3[%add3A_78] : memref<320000xi32, #tpu.memory_space<hbm>> -> memref<8000xi32, #tpu.memory_space<hbm>>
        %dma_start3A_82 = tpu.memref_slice %arg3[%add3A_78] : memref<320000xi32, #tpu.memory_space<hbm>> -> memref<8000xi32, #tpu.memory_space<hbm>>
        tpu.enqueue_dma source(%dma_start3A_82 : memref<8000xi32, #tpu.memory_space<hbm>>) target(%arg11 : memref<8000xi32, #tpu.memory_space<vmem>>) target_semaphore(%arg14 : memref<!tpu.dma_semaphore, #tpu.memory_space<semaphore_mem>>)
        %dma_start3A_83 = tpu.memref_slice %arg4[%add3A_78] : memref<320000xf32, #tpu.memory_space<hbm>> -> memref<8000xf32, #tpu.memory_space<hbm>>
        %dma_start3A_84 = tpu.memref_slice %arg4[%add3A_78] : memref<320000xf32, #tpu.memory_space<hbm>> -> memref<8000xf32, #tpu.memory_space<hbm>>
        tpu.enqueue_dma source(%dma_start3A_84 : memref<8000xf32, #tpu.memory_space<hbm>>) target(%arg12 : memref<8000xf32, #tpu.memory_space<vmem>>) target_semaphore(%arg14 : memref<!tpu.dma_semaphore, #tpu.memory_space<semaphore_mem>>)
      } else {
      }
    }
    %scan3A_23 = arith.constant 10 : i32
    %mul3A_24 = arith.constant 128 : i32
    %mul3A_25 = arith.muli %arg0, %mul3A_24 : i32
    %mul3A_26 = arith.constant 10000 : i32
    %mul3A_27 = arith.muli %mul3A_25, %mul3A_26 : i32
    %mul3A_28 = arith.constant 10000 : i32
    %mul3A_29 = arith.muli %mul3A_0, %mul3A_28 : i32
    %add3A_30 = arith.addi %mul3A_27, %mul3A_29 : i32
    "tpu.region"() ({
      %run_scoped3A = tpu.sem_alloc : memref<!tpu.dma_semaphore, #tpu.memory_space<semaphore_mem>>
      %dma_start3A_31 = tpu.memref_slice %arg5[%add3A_30] : memref<2560000xf32, #tpu.memory_space<hbm>> -> memref<80000xf32, #tpu.memory_space<hbm>>
      %dma_start3A_32 = tpu.memref_slice %arg5[%add3A_30] : memref<2560000xf32, #tpu.memory_space<hbm>> -> memref<80000xf32, #tpu.memory_space<hbm>>
      tpu.enqueue_dma source(%arg6 : memref<80000xf32, #tpu.memory_space<vmem>>) target(%dma_start3A_32 : memref<80000xf32, #tpu.memory_space<hbm>>) target_semaphore(%run_scoped3A : memref<!tpu.dma_semaphore, #tpu.memory_space<semaphore_mem>>)
      %dma_wait3A = tpu.memref_slice %arg5[%add3A_30] : memref<2560000xf32, #tpu.memory_space<hbm>> -> memref<80000xf32, #tpu.memory_space<hbm>>
      %dma_wait3A_33 = tpu.memref_slice %arg5[%add3A_30] : memref<2560000xf32, #tpu.memory_space<hbm>> -> memref<80000xf32, #tpu.memory_space<hbm>>
      tpu.wait_dma2 semaphore(%run_scoped3A : memref<!tpu.dma_semaphore, #tpu.memory_space<semaphore_mem>>) src(%arg6 : memref<80000xf32, #tpu.memory_space<vmem>>) dst(%dma_wait3A_33 : memref<80000xf32, #tpu.memory_space<hbm>>)
      tpu.yield
    }) : () -> ()
    return
  }
}

module attributes {stable_mosaic.version = 14 : i64} {
  func.func @_matmul_kernel(%arg0: memref<128x128xf32, #tpu.memory_space<vmem>>, %arg1: memref<2x128x10000xf32, #tpu.memory_space<vmem>>, %arg2: memref<128x10000xf32, #tpu.memory_space<vmem>>) attributes {dimension_semantics = [], scalar_prefetch = 0 : i64, scratch_operands = 0 : i64, tpu.core_type = #tpu.core_type<tc>} {
    %get3A = arith.constant 0 : index
    %get3A_0 = arith.constant 0 : index
    %get3A_1 = arith.constant 0 : index
    %get3A_2 = vector.load %arg1[%get3A, %get3A_0, %get3A_1] : memref<2x128x10000xf32, #tpu.memory_space<vmem>>, vector<1x128x10000xf32>
    %get3A_3 = vector.shape_cast %get3A_2 : vector<1x128x10000xf32> to vector<128x10000xf32>
    %get3A_4 = arith.constant 1 : index
    %get3A_5 = arith.constant 0 : index
    %get3A_6 = arith.constant 0 : index
    %get3A_7 = vector.load %arg1[%get3A_4, %get3A_5, %get3A_6] : memref<2x128x10000xf32, #tpu.memory_space<vmem>>, vector<1x128x10000xf32>
    %get3A_8 = vector.shape_cast %get3A_7 : vector<1x128x10000xf32> to vector<128x10000xf32>
    %add3A = arith.addf %get3A_3, %get3A_8 : vector<128x10000xf32>
    %get3A_9 = arith.constant 0 : index
    %get3A_10 = arith.constant 0 : index
    %get3A_11 = vector.load %arg0[%get3A_9, %get3A_10] : memref<128x128xf32, #tpu.memory_space<vmem>>, vector<128x128xf32>
    %dot_general3A = arith.constant dense<0.000000e+00> : vector<128x10000xf32>
    %dot_general3A_12 = tpu.matmul %get3A_11, %add3A, %dot_general3A {dimension_numbers = #tpu.dot_dimension_numbers<[0], [0], [1], [1], [0, 1, 1, 1], [], []>, precision = #tpu.contract_precision<fp32>, transpose_lhs_hint = false} : vector<128x128xf32>, vector<128x10000xf32>, vector<128x10000xf32> -> vector<128x10000xf32>
    %swap3A = arith.constant 0 : index
    %swap3A_13 = arith.constant 0 : index
    %swap3A_14 = vector.load %arg2[%swap3A, %swap3A_13] : memref<128x10000xf32, #tpu.memory_space<vmem>>, vector<128x10000xf32>
    tpu.vector_store %arg2[%swap3A, %swap3A_13], %dot_general3A_12 {strides = array<i32>} : memref<128x10000xf32, #tpu.memory_space<vmem>>, vector<128x10000xf32>,
    return
  }
}

</mosaic_0001>

<sc_bundles>
// kernel: _run.5.cloned.1.call-start
scs
__scs_entry_jumppad:
0x0: {  	(pc) =	sbr.rel $0x88, $3  }
0x1: {  	(tag) =	ssettag $0x0;
	lr =	simm.s32 $0x1  }
0x2: {  	[smem:$0x3F9A] =	sst lr;
	_ =	strace $0xD0000000  }
0x3: {  	_ = 	snop  }
0x4: {  	_ = 	snop  }
0x5: {  	_ = 	snop  }
0x6: {  	_ = 	snop  }
0x7: {  	_ = 	snop  }
__scs_overlays_trampoline_lowered:
0x8: {  	[smem:$0x3FA9] =	sst s0  }
0x9: {  	[smem:$0x3FAA] =	sst s1  }
0xa: {  	[smem:$0x3FAB] =	sst s2  }
0xb: {  	[smem:$0x3FAC] =	sst s3  }
0xc: {  	[smem:$0x3FAD] =	sst s4  }
0xd: {  	[smem:$0x3FAE] =	sst s5  }
0xe: {  	[smem:$0x3FAF] =	sst s6  }
0xf: {  	[smem:$0x3FB0] =	sst s7  }
0x10: {  	[smem:$0x3FB1] =	sst s8  }
0x11: {  	[smem:$0x3FB2] =	sst s9;
	s0 =	simm.s32 @!p0 $0x0  }
0x12: {  	s1 =	sld [smem:$0x3F98];
	s0 =	simm.s32 @p0 $0x1  }
0x13: {  	[smem:$0x3FB3] =	sst s0;
	s0 =	simm.s32 @!p1 $0x0  }
0x14: {  	s2 =	sld [smem:$0x3F97];
	s0 =	simm.s32 @p1 $0x1  }
0x15: {  	[smem:$0x3FB4] =	sst s0;
	s0 =	simm.s32 @!p2 $0x0  }
0x16: {  	s3 =	sld [smem:$0x3FDB];
	s0 =	simm.s32 @p2 $0x1  }
0x17: {  	s4 =	simm.s32 $0x1BF5;
	[smem:$0x3FB6] =	sst s0  }
0x18: {  	s0 =	sld [smem:$0x3F99];
	_ =	swait.ge [sflag:s4], $0x0  }
0x19: {  	s7 =	sld [smem:$0x3F9A]  }
0x1a: {  	s8 =	sadd.s32 $0xFFFFE003, lr  }
0x1b: {  	s9 =	sadd.s32 $0xFFFFFEF7, lr;
	s5 =	simm.s32 $0xFFFFFFFF;
	p2 =	slt.u32 s8, $0xFFFFF086  }
0x1c: {  	p1 =	slt.u32 s9, $0xF7A;
	s5 =	simm.s32 @!p2 $0x0  }
0x1d: {  	s5 =	simm.s32 @p1 $0x1;
	p0 =	seq.s32 s7, s2  }
0x1e: {  	s7 =	smul.u32 @!p0 $0xF7A, s2;
	p2 =	seq.s32 @!p0 s5, $0x0  }
0x1f: {  	s9 =	smul.u32 $0xF7A, s1;
	s8 =	simm.s32 @!p0 $0x1BF5;
	p2 =	por !p2, p0  }
0x20: {  	[sflag:s8] =	ssyncset.s32 @!p0 $0xFFFFF086;
	s6 =	sadd.s32 @!p0 s3, s7;
	s7 =	simm.s32 @!p0 $0x108  }
0x21: {  	s3 =	sadd.s32 s3, s9;
	s6 =	sadd.s32 @!p0 $0x88, s6;
	s7 =	simm.s32 @p2 $0x1082  }
0x22: {  	[simem:s7], [sflag:s8] =	dma.local @!p0 [hbm:s6], $0xF7A  }
0x23: {  	s9 =	sor.u32 $0xD0000000, s2;
	s6 =	simm.s32 $0x108;
	_ =	swait.ge @!p0 [sflag:s8], $0x0  }
0x24: {  	s3 =	sadd.s32 $0x88, s3;
	s6 =	simm.s32 @!p1 $0x1082;
	[sflag:s4] =	ssyncset.s32 $0xFFFFF086  }
0x25: {  	[simem:s6], [sflag:s4] =	dma.local [hbm:s3], $0xF7A  }
0x26: {  	[smem:$0x3F9A] =	sst s1;
	(tag) =	ssettag s2;
	_ =	strace s9  }
0x27: {  	s1 =	sld [smem:$0x3FAA]  }
0x28: {  	s2 =	sld [smem:$0x3FAB]  }
0x29: {  	s4 =	sld [smem:$0x3FAD]  }
0x2a: {  	p0 =	seq.s32 s5, $0x0;
	s5 =	sld [smem:$0x3FAE]  }
0x2b: {  	s6 =	sld [smem:$0x3FAF]  }
0x2c: {  	s7 =	sld [smem:$0x3FB0]  }
0x2d: {  	s3 =	simm.s32 $0x108;
	s8 =	sld [smem:$0x3FB1]  }
0x2e: {  	s3 =	simm.s32 @!p0 $0x1082;
	s9 =	sld [smem:$0x3FB2]  }
0x2f: {  	lr =	sadd.s32 s0, s3;
	s0 =	sld [smem:$0x3FA9]  }
0x30: {  	s3 =	sld [smem:$0x3FAC]  }
0x31: {  	[smem:$0x3FB5] =	sst s10  }
0x32: {  	s10 =	sld [smem:$0x3FB3];
	_ =	sdelay $0x3  }
0x33: {  	p0 =	seq.s32 s10, $0x1;
	s10 =	sld [smem:$0x3FB5];
	_ =	sdelay $0x3  }
0x34: {  	[smem:$0x3FB5] =	sst s10  }
0x35: {  	s10 =	sld [smem:$0x3FB4];
	_ =	sdelay $0x3  }
0x36: {  	p1 =	seq.s32 s10, $0x1;
	s10 =	sld [smem:$0x3FB5];
	_ =	sdelay $0x3  }
0x37: {  	[smem:$0x3FB5] =	sst s10  }
0x38: {  	s10 =	sld [smem:$0x3FB6]  }
0x39: {  	_ = 	snop;
	(pc) =	sbr.ind lr, $3  }
0x3a: {  	_ = 	snop  }
0x3b: {  	_ = 	snop  }
0x3c: {  	p2 =	seq.s32 s10, $0x1;
	s10 =	sld [smem:$0x3FB5]  }
0x3d: {  	_ =	shalt  }
0x3e: {  	_ =	shalt  }
0x3f: {  	_ =	shalt  }
0x40: {  	_ =	shalt  }
0x41: {  	_ =	shalt  }
0x42: {  	_ =	shalt  }
0x43: {  	_ =	shalt  }
0x44: {  	_ =	shalt  }
0x45: {  	_ =	shalt  }
0x46: {  	_ =	shalt  }
0x47: {  	_ =	shalt  }
0x48: {  	_ =	shalt  }
0x49: {  	_ =	shalt  }
0x4a: {  	_ =	shalt  }
0x4b: {  	_ =	shalt  }
0x4c: {  	_ =	shalt  }
0x4d: {  	_ =	shalt  }
0x4e: {  	_ =	shalt  }
0x4f: {  	_ =	shalt  }
0x50: {  	_ =	shalt  }
0x51: {  	_ =	shalt  }
0x52: {  	_ =	shalt  }
0x53: {  	_ =	shalt  }
0x54: {  	_ =	shalt  }
0x55: {  	_ =	shalt  }
0x56: {  	_ =	shalt  }
0x57: {  	_ =	shalt  }
0x58: {  	_ =	shalt  }
0x59: {  	_ =	shalt  }
0x5a: {  	_ =	shalt  }
0x5b: {  	_ =	shalt  }
0x5c: {  	_ =	shalt  }
0x5d: {  	_ =	shalt  }
0x5e: {  	_ =	shalt  }
0x5f: {  	_ =	shalt  }
0x60: {  	_ =	shalt  }
0x61: {  	_ =	shalt  }
0x62: {  	_ =	shalt  }
0x63: {  	_ =	shalt  }
0x64: {  	_ =	shalt  }
0x65: {  	_ =	shalt  }
0x66: {  	_ =	shalt  }
0x67: {  	_ =	shalt  }
0x68: {  	_ =	shalt  }
0x69: {  	_ =	shalt  }
0x6a: {  	_ =	shalt  }
0x6b: {  	_ =	shalt  }
0x6c: {  	_ =	shalt  }
0x6d: {  	_ =	shalt  }
0x6e: {  	_ =	shalt  }
0x6f: {  	_ =	shalt  }
0x70: {  	_ =	shalt  }
0x71: {  	_ =	shalt  }
0x72: {  	_ =	shalt  }
0x73: {  	_ =	shalt  }
0x74: {  	_ =	shalt  }
0x75: {  	_ =	shalt  }
0x76: {  	_ =	shalt  }
0x77: {  	_ =	shalt  }
0x78: {  	_ =	shalt  }
0x79: {  	_ =	shalt  }
0x7a: {  	_ =	shalt  }
0x7b: {  	_ =	shalt  }
0x7c: {  	_ =	shalt  }
0x7d: {  	_ =	shalt  }
0x7e: {  	_ =	shalt  }
0x7f: {  	_ =	shalt  }
0x80: {  	_ =	shalt  }
0x81: {  	_ =	shalt  }
0x82: {  	_ =	shalt  }
0x83: {  	_ =	shalt  }
0x84: {  	_ =	shalt  }
0x85: {  	_ =	shalt  }
0x86: {  	_ =	shalt  }
0x87: {  	_ =	shalt  }
.Lfunc_end0:
.L_simem_size_0:
called_computation_lowered:
.L_overlay_start_0:
0x88: {  	s2 =	sld [smem:$0x3FD9]  }
0x89: {  	s3 =	sld [smem:$0x3FFE];
	_ =	sdelay $0x1  }
0x8a: {  	s1 =	srdreg.scid  }
0x8b: {  	s0 =	sand.u32 $0x1, s1  }
0x8c: {  	s17 =	sshll.u32 s0, $0xA;
	s2 =	sadd.s32 s3, s2  }
0x8d: {  	s2 =	sadd.s32 s2, s17  }
0x8e: {  	[smem:$0x3FC1] =	sst s2  }
0x8f: {  	_ = 	snop  }
0x90: {  	s2 =	sld [smem:$0x3FC9]  }
0x91: {  	s18 =	sld [smem:$0x3FC8]  }
0x92: {  	s4 =	sld [smem:$0x3FC7];
	(tm) =	ssettm $0x1  }
0x93: {  	s5 =	sld [smem:$0x3FFB];
	_ =	sdelay $0x3  }
0x94: {  	_ =	strace s5  }
0x95: {  	s5 =	sld [smem:$0x3FFC];
	_ =	sdelay $0x3  }
0x96: {  	_ =	strace s5  }
0x97: {  	s5 =	sld [smem:$0x3FFD];
	_ =	sdelay $0x3  }
0x98: {  	_ =	strace s5  }
0x99: {  	_ =	strace $0x8FFFFFFF  }
0x9a: {  	s19 =	sld [smem:$0x3FDB];
	_ =	sdelay $0x1  }
0x9b: {  	s6 =	simm.s32 $_scs_section_size  }
0x9c: {  	s7 =	simm.s32 $_size__tile_overlayer_lowered;
	s8 =	simm.s32 $_tile_overlayer_lowered  }
0x9d: {  	s22 =	simm.s32 $0x1BFF;
	s21 =	sshll.u32 s8, $0x1;
	s5 =	sadd.s32 s6, s19  }
0x9e: {  	s9 =	simm.s32 $0x0;
	s20 =	sshll.u32 s7, $0x1;
	s7 =	sadd.s32 s21, s5  }
0x9f: {  	[timem:s9], [sflag:s22] =	dma.local [hbm:s7], s20  }
0xa0: {  	_ =	swait.ge [sflag:s22], s20  }
0xa1: {  	s6 =	ssub.s32 $0x0, s20;
	[sflag:s22] =	ssyncset.done $0x0  }
0xa2: {  	[sflag:s22] =	ssyncadd.s32 s6;
	_ =	sdelay $0x1  }
0xa3: {  	s23 =	simm.s32 $0x1B8B  }
0xa4: {  	_ =	swait.ge [sflag:s23], $0x1  }
0xa5: {  	[sflag:s23] =	ssyncset.done $0x0  }
0xa6: {  	s25 =	simm.s32 $0x1B8E;
	s24 =	sld [smem:$0x3FFE];
	[sflag:s23] =	ssyncadd.s32 $0xFFFFFFFF  }
0xa7: {  	s26 =	simm.s32 $execute0_lowered;
	[smem:$0x3FD2] =	sst s25  }
0xa8: {  	s7 =	sshll.u32 s26, $0x1;
	_ =	strace $0x80000046;
	[dreg:$0x1] =	wrdreg $0xFFFFFFFF  }
0xa9: {  	s28 =	simm.s32 $_size_execute0_lowered;
	s5 =	sadd.s32 s5, s7;
	[dreg:$0x0] =	wrdreg $0x0  }
0xaa: {  	s7 =	sshll.u32 s28, $0x1;
	[dreg:$0x2] =	wrdreg s5  }
0xab: {  	[dreg:$0x3] =	wrdreg s7  }
0xac: {  	[dreg:$0x4] =	wrdreg $0xC0  }
0xad: {  	_ =	task [dreg:s9], $0x5FFFF  }
0xae: {  	[dreg:$0x1] =	wrdreg $0xFFFFFFFF  }
0xaf: {  	[dreg:$0x0] =	wrdreg $0x60  }
0xb0: {  	[dreg:$0x2] =	wrdreg s2  }
0xb1: {  	[dreg:$0x3] =	wrdreg s18  }
0xb2: {  	[dreg:$0x4] =	wrdreg s4  }
0xb3: {  	[dreg:$0x5] =	wrdreg s24  }
0xb4: {  	[dreg:$0x6] =	wrdreg $0x9  }
0xb5: {  	_ =	task.clear_ibuf [dreg:s9], $0x7FFFF;
	_ =	strace $0x90000046  }
0xb6: {  	s29 =	simm.s32 $0x9;
	_ =	strace $0x80000048  }
0xb7: {  	_ =	swait.ge [sflag:s29], $0x1  }
0xb8: {  	[sflag:s29] =	ssyncadd.s32 $0xFFFFFFFF  }
0xb9: {  	_ =	strace $0x90000048  }
0xba: {  	_ =	sfence  }
0xbb: {  	s30 =	sld [smem:$0x0];
	_ =	sdelay $0x2  }
0xbc: {  	s31 =	sshll.u32 s1, $0xD;
	s1 =	sshrl.u32 s1, $0x2  }
0xbd: {  	s3 =	sand.u32 $0x4000, s31;
	s1 =	sadd.s32 s1, s30  }
0xbe: {  	s0 =	sor.u32 s3, s0;
	s1 =	sshll.u32 s1, $0x11  }
0xbf: {  	s0 =	sor.u32 s1, s0  }
0xc0: {  	s0 =	sadd.s32 $0x8F2B, s0  }
0xc1: {  	[sflag:s0] =	ssyncadd.remote.s32 $0x1  }
0xc2: {  	_ =	sfence.sel $0xFFFF  }
0xc3: {  	[dreg:$0x0] =	wrdreg $0xFFFFFFFF;
	(pc) =	sbr.abs _section_cstart, $3  }
0xc4: {  	[dreg:$0x1] =	wrdreg $0xFFFFFFFF  }
0xc5: {  	_ =	task.clear_ibuf [dreg:s9], $0x2FFFF;
	_ =	strace $0x9FFFFFFF  }
0xc6: {  	(tm) =	ssettm $0x7FFFFFFF  }
0xc7: {  	_ =	shalt  }
tec
execute0_lowered:
.L_overlay_start_1:
0x0: {  	(tag) =	ssettag $0x1  }
0x1: {  	s0 =	rddreg [dreg:$0x0]  }
0x2: {  	s2 =	rddreg [dreg:$0x1]  }
0x3: {  	s4 =	rddreg [dreg:$0x2]  }
0x4: {  	s1 =	srdreg.scid;
	s8 =	rddreg [dreg:$0x3]  }
0x5: {  	s3 =	rddreg [dreg:$0x4];
	s5 =	simm.s32 $0x0;
	s16 =	simm.s32 $0x13880  }
0x6: {  	s17 =	simm.s32 $0x15800;
	s18 =	simm.s32 $0x17780;
	s19 =	simm.s32 $0x19700  }
0x7: {  	s20 =	simm.s32 $0x1B680;
	s21 =	simm.s32 $0x1D600;
	s6 =	sand.u32 $0x1, s1  }
0x8: {  	s22 =	simm.s32 $0x1;
	s1 =	stileid.u32;
	s7 =	smul.u32 $0x138800, s6  }
0x9: {  	s24 =	simm.s32 $0x3;
	s25 =	simm.s32 $0x0;
	s9 =	smul.u32 $0x13880, s1  }
0xa: {  	[smem:$0x7FF] =	sst s5;
	s29 =	ssub.s32 $0x2, s6;
	s13 =	smul.u32 $0x27100, s6  }
0xb: {  	_ =	strace $0x80000047;
	s23 =	sshll.u32 s1, $0x3;
	s30 =	sshrl.u32 s29, $0x1  }
0xc: {  	v0 =	vmov s23;
	s23 =	simm.s32 $0x2;
	s7 =	sadd.s32 s9, s7;
	s15 =	ssub.s32 s29, s30  }
.Ltmp0:
0xd: {  	s31 =	sshrl.u32 s13, $0x3;
	s12 =	sadd.s32 $0x3E80, s13;
	(pc) =	sbr.rel .LBB2_1-.Ltmp0, $4  }
0xe: {  	s13 =	sadd.s32 $0x5DC0, s13;
	s7 =	sshrl.u32 s7, $0x3;
	s6 =	sadd.s32 s0, s31  }
0xf: {  	s11 =	sadd.s32 $0x3E8, s31;
	s15 =	smax.u32 s15, $0x1;
	s14 =	sadd.s32 s7, s8  }
0x10: {  	s7 =	sadd.s32 s2, s31;
	s8 =	sadd.s32 s4, s31;
	s9 =	sadd.s32 s0, s11  }
0x11: {  	v1 =	vimm.f32 $0.0e+00;
	s10 =	sadd.s32 s2, s11;
	s11 =	sadd.s32 s4, s11;
	s14 =	sadd.s32 $0xA00, s14  }
.LBB2_10:
0x12: {  	s25 =	sadd.s32 $0x1, s25  }
0x13: {  	p0 =	sne.s32 s25, s15  }
.Ltmp1:
0x14: {  	_ = 	snop;
	(pc) =	sbr.rel @!p0 .LBB2_11-.Ltmp1, $4  }
0x15: {  	[hbm4b:s14+s5] =	stream.linear.scatter [tilespmem:s5], [sflag:$0x3], $0x13880, $0x38;
	[tilespmem:$0x1F580] =	vst v63  }
0x16: {  	_ =	swait.ge [sflag:s24], $0x13880  }
0x17: {  	[sflag:s24] =	ssyncset.done $0x0  }
0x18: {  	[sflag:s24] =	ssyncadd.s32 $0xFFFEC780  }
.LBB2_1:
0x19: {  	s26 =	simm.s32 $0x20  }
0x1a: {  	[tilespmem:s26+$0xFFFFFFE0] =	vst v1  }
0x1b: {  	[tilespmem:s26+$0x10] =	vst v1  }
0x1c: {  	s28 =	simm.s32 $0x0;
	[tilespmem:s26+$0x0] =	vst v1  }
.LBB2_2:
0x1d: {  	s28 =	sadd.s32 $0x4, s28  }
0x1e: {  	[tilespmem:s26+$0xFFFFFFF0] =	vst v1;
	s26 =	sadd.s32 $0x40, s26;
	p0 =	slt.u32 s28, $0x1384  }
.Ltmp2:
0x1f: {  	[tilespmem:s26+$0xFFFFFFE0] =	vst v1;
	(pc) =	sbr.rel @p0 .LBB2_2-.Ltmp2, $3  }
0x20: {  	_ =	sdelay $0x1  }
0x21: {  	[tilespmem:s26+$0x10] =	vst v1  }
0x22: {  	[tilespmem:s26+$0x0] =	vst v1  }
0x23: {  	[tilespmem:s26+$0xFFFFFFF0] =	vst v1;
	s26 =	simm.s32 $0x0  }
0x24: {  	[tilespmem:s16], [sflag:$0x1] =	stream.linear.gather [hbm4b:s6+s26], $0x1F40, $0x38;
	[tilespmem:$0x1F580] =	vst v63  }
0x25: {  	_ = 	snop  }
0x26: {  	[tilespmem:s17], [sflag:$0x1] =	stream.linear.gather [hbm4b:s7+s26], $0x1F40, $0x38;
	[tilespmem:$0x1F580] =	vst v63  }
0x27: {  	_ = 	snop  }
0x28: {  	[tilespmem:s18], [sflag:$0x1] =	stream.linear.gather [hbm4b:s8+s26], $0x1F40, $0x38;
	[tilespmem:$0x1F580] =	vst v63  }
0x29: {  	_ = 	snop  }
0x2a: {  	[tilespmem:s19], [sflag:$0x2] =	stream.linear.gather [hbm4b:s9+s26], $0x1F40, $0x38;
	[tilespmem:$0x1F580] =	vst v63  }
0x2b: {  	_ = 	snop  }
0x2c: {  	[tilespmem:s20], [sflag:$0x2] =	stream.linear.gather [hbm4b:s10+s26], $0x1F40, $0x38;
	[tilespmem:$0x1F580] =	vst v63  }
0x2d: {  	_ = 	snop  }
0x2e: {  	[tilespmem:s21], [sflag:$0x2] =	stream.linear.gather [hbm4b:s11+s26], $0x1F40, $0x38;
	[tilespmem:$0x1F580] =	vst v63  }
.LBB2_4:
0x2f: {  	_ =	swait.ge [sflag:s22], $0x1F40  }
0x30: {  	[sflag:s22] =	ssyncset.done $0x0  }
0x31: {  	[sflag:s22] =	ssyncadd.s32 $0xFFFFE0C0  }
0x32: {  	_ =	swait.ge [sflag:s22], $0x1F40  }
0x33: {  	[sflag:s22] =	ssyncset.done $0x0  }
0x34: {  	[sflag:s22] =	ssyncadd.s32 $0xFFFFE0C0  }
0x35: {  	_ =	swait.ge [sflag:s22], $0x1F40  }
0x36: {  	[sflag:s22] =	ssyncset.done $0x0  }
0x37: {  	s29 =	simm.s32 $0x15820;
	[sflag:s22] =	ssyncadd.s32 $0xFFFFE0C0  }
0x38: {  	v2 =	vld [tilespmem:s29+$0x10]  }
0x39: {  	v3 =	vld [tilespmem:s29+$0xFFFFFFF0]  }
0x3a: {  	s28 =	simm.s32 $0x138A0;
	v4 =	vld [tilespmem:s29+$0xFFFFFFE0]  }
0x3b: {  	v5 =	vld [tilespmem:s28+$0x10]  }
0x3c: {  	v6 =	vld [tilespmem:s28+$0xFFFFFFF0]  }
0x3d: {  	v7 =	vld [tilespmem:s29+$0x0];
	v2 =	vsub.s32 v2, v0  }
0x3e: {  	v8 =	vld [tilespmem:s28+$0x0];
	v3 =	vsub.s32 v3, v0;
	v9 =	vmul.u32 $0x2710, v2  }
0x3f: {  	s29 =	simm.s32 $0x177A0;
	v10 =	vld [tilespmem:s28+$0xFFFFFFE0];
	vm0 =	vlt.u32 v2, $0x8;
	v2 =	vmul.u32 $0x2710, v3  }
0x40: {  	v11 =	vld [tilespmem:s29+$0x10];
	vm2 =	vlt.u32 v3, $0x8;
	v9 =	vadd.s32 v5, v9  }
0x41: {  	v12 =	vld [tilespmem:s29+$0xFFFFFFF0];
	v6 =	vadd.s32 v6, v2  }
0x42: {  	v3 =	vsub.s32 v4, v0;
	v5 =	vld [tilespmem:s29+$0x0]  }
0x43: {  	v7 =	vsub.s32 v7, v0;
	v4 =	vmul.u32 $0x2710, v3  }
0x44: {  	v13 =	vmul.u32 $0x2710, v7;
	v2 =	vld [tilespmem:s29+$0xFFFFFFE0]  }
0x45: {  	vm3 =	vlt.u32 v7, $0x8;
	vm1 =	vlt.u32 v3, $0x8;
	v3 =	vadd.s32 v10, v4;
	[tilespmem:v9+s5+$0x0] =	vst.idx.add.f32.msk vm0, v11  }
0x46: {  	s30 =	simm.s32 $0x0;
	s31 =	simm.s32 $0x15860;
	v4 =	vadd.s32 v8, v13;
	vm0 =	vmmov vm1;
	vm1 =	vmmov vm3;
	[tilespmem:v6+s5+$0x0] =	vst.idx.add.f32.msk vm2, v12  }
.LBB2_5:
0x47: {  	v6 =	vld [tilespmem:s31+$0x10];
	s30 =	sadd.s32 $0x4, s30;
	v7 =	vmov v5  }
0x48: {  	v5 =	vld [tilespmem:s31+$0xFFFFFFE0];
	p0 =	slt.u32 s30, $0x1F0  }
0x49: {  	s28 =	sadd.s32 $0x40, s28;
	v8 =	vld [tilespmem:s31+$0xFFFFFFF0]  }
0x4a: {  	v9 =	vld [tilespmem:s28+$0x10]  }
0x4b: {  	v10 =	vld [tilespmem:s31+$0x0]  }
0x4c: {  	v11 =	vld [tilespmem:s28+$0xFFFFFFF0];
	v6 =	vsub.s32 v6, v0  }
0x4d: {  	v5 =	vsub.s32 v5, v0;
	v12 =	vld [tilespmem:s28+$0x0];
	v13 =	vmul.u32 $0x2710, v6  }
0x4e: {  	s29 =	sadd.s32 $0x40, s29;
	vm2 =	vlt.u32 v6, $0x8;
	v14 =	vld [tilespmem:s28+$0xFFFFFFE0];
	v15 =	vmul.u32 $0x2710, v5;
	v8 =	vsub.s32 v8, v0  }
0x4f: {  	vm3 =	vlt.u32 v5, $0x8;
	v5 =	vmul.u32 $0x2710, v8;
	v6 =	vld [tilespmem:s29+$0x10];
	v9 =	vadd.s32 v9, v13  }
0x50: {  	vm4 =	vlt.u32 v8, $0x8;
	v13 =	vld [tilespmem:s29+$0xFFFFFFE0];
	v8 =	vsub.s32 v10, v0  }
0x51: {  	v10 =	vld [tilespmem:s29+$0xFFFFFFF0];
	v11 =	vadd.s32 v11, v5;
	vm5 =	vlt.u32 v8, $0x8;
	v8 =	vmul.u32 $0x2710, v8  }
.Ltmp3:
0x52: {  	v5 =	vld [tilespmem:s29+$0x0];
	(pc) =	sbr.rel @p0 .LBB2_5-.Ltmp3, $4  }
0x53: {  	v8 =	vadd.s32 v12, v8;
	[tilespmem:v3+s5+$0x0] =	vst.idx.add.f32.msk vm0, v2;
	v3 =	vadd.s32 v14, v15;
	vm0 =	vmmov vm3  }
0x54: {  	[tilespmem:v9+s5+$0x0] =	vst.idx.add.f32.msk vm2, v6  }
0x55: {  	[tilespmem:v4+s5+$0x0] =	vst.idx.add.f32.msk vm1, v7;
	v2 =	vmov v13;
	v4 =	vmov v8;
	vm1 =	vmmov vm5  }
0x56: {  	s31 =	sadd.s32 $0x40, s31;
	[tilespmem:v11+s5+$0x0] =	vst.idx.add.f32.msk vm4, v10  }
0x57: {  	_ = 	snop  }
0x58: {  	p0 =	seq.s32 s26, $0x9  }
0x59: {  	s28 =	smul.u32 @!p0 $0x3E80, s26;
	_ =	sdelay $0x1  }
0x5a: {  	s28 =	sadd.s32 @!p0 s28, s12  }
0x5b: {  	[tilespmem:v3+s5+$0x0] =	vst.idx.add.f32.msk vm0, v2;
	s28 =	sshrl.u32 @!p0 s28, $0x3  }
0x5c: {  	[tilespmem:v4+s5+$0x0] =	vst.idx.add.f32.msk vm1, v5;
	s30 =	simm.s32 @!p0 $0x0;
	s31 =	simm.s32 @!p0 $0x13880;
	s29 =	sadd.s32 @!p0 s0, s28  }
0x5d: {  	[tilespmem:s31], [sflag:$0x1] =	stream.linear.gather @!p0 [hbm4b:s29+s30], $0x1F40, $0x38;
	[tilespmem:$0x1F580] =	vst v63  }
0x5e: {  	s29 =	sadd.s32 @!p0 s2, s28;
	s31 =	simm.s32 @!p0 $0x15800  }
0x5f: {  	[tilespmem:s31], [sflag:$0x1] =	stream.linear.gather @!p0 [hbm4b:s29+s30], $0x1F40, $0x38;
	[tilespmem:$0x1F580] =	vst v63  }
0x60: {  	s28 =	sadd.s32 @!p0 s4, s28;
	s29 =	simm.s32 @!p0 $0x17780  }
0x61: {  	[tilespmem:s29], [sflag:$0x1] =	stream.linear.gather @!p0 [hbm4b:s28+s30], $0x1F40, $0x38;
	[tilespmem:$0x1F580] =	vst v63  }
0x62: {  	_ =	swait.ge [sflag:s23], $0x1F40  }
0x63: {  	[sflag:s23] =	ssyncset.done $0x0  }
0x64: {  	[sflag:s23] =	ssyncadd.s32 $0xFFFFE0C0  }
0x65: {  	_ =	swait.ge [sflag:s23], $0x1F40  }
0x66: {  	[sflag:s23] =	ssyncset.done $0x0  }
0x67: {  	[sflag:s23] =	ssyncadd.s32 $0xFFFFE0C0  }
0x68: {  	_ =	swait.ge [sflag:s23], $0x1F40  }
0x69: {  	[sflag:s23] =	ssyncset.done $0x0  }
0x6a: {  	s29 =	simm.s32 $0x1B6A0;
	[sflag:s23] =	ssyncadd.s32 $0xFFFFE0C0  }
0x6b: {  	v2 =	vld [tilespmem:s29+$0x10]  }
0x6c: {  	v3 =	vld [tilespmem:s29+$0xFFFFFFF0]  }
0x6d: {  	s28 =	simm.s32 $0x19720;
	v4 =	vld [tilespmem:s29+$0xFFFFFFE0]  }
0x6e: {  	v5 =	vld [tilespmem:s28+$0x10]  }
0x6f: {  	v6 =	vld [tilespmem:s28+$0xFFFFFFF0]  }
0x70: {  	v7 =	vld [tilespmem:s29+$0x0];
	v2 =	vsub.s32 v2, v0  }
0x71: {  	v8 =	vld [tilespmem:s28+$0x0];
	v3 =	vsub.s32 v3, v0;
	v9 =	vmul.u32 $0x2710, v2  }
0x72: {  	s29 =	simm.s32 $0x1D620;
	v10 =	vld [tilespmem:s28+$0xFFFFFFE0];
	vm0 =	vlt.u32 v2, $0x8;
	v2 =	vmul.u32 $0x2710, v3  }
0x73: {  	v11 =	vld [tilespmem:s29+$0x10];
	vm2 =	vlt.u32 v3, $0x8;
	v9 =	vadd.s32 v5, v9  }
0x74: {  	v12 =	vld [tilespmem:s29+$0xFFFFFFF0];
	v6 =	vadd.s32 v6, v2  }
0x75: {  	v3 =	vsub.s32 v4, v0;
	v5 =	vld [tilespmem:s29+$0x0]  }
0x76: {  	v7 =	vsub.s32 v7, v0;
	v4 =	vmul.u32 $0x2710, v3  }
0x77: {  	v13 =	vmul.u32 $0x2710, v7;
	v2 =	vld [tilespmem:s29+$0xFFFFFFE0]  }
0x78: {  	vm3 =	vlt.u32 v7, $0x8;
	vm1 =	vlt.u32 v3, $0x8;
	v3 =	vadd.s32 v10, v4;
	[tilespmem:v9+s5+$0x0] =	vst.idx.add.f32.msk vm0, v11  }
0x79: {  	s31 =	simm.s32 $0x1B6E0;
	s30 =	simm.s32 $0x0;
	v4 =	vadd.s32 v8, v13;
	vm0 =	vmmov vm1;
	vm1 =	vmmov vm3;
	[tilespmem:v6+s5+$0x0] =	vst.idx.add.f32.msk vm2, v12  }
.LBB2_7:
0x7a: {  	v6 =	vld [tilespmem:s31+$0x10];
	s30 =	sadd.s32 $0x4, s30;
	v7 =	vmov v5  }
0x7b: {  	v5 =	vld [tilespmem:s31+$0xFFFFFFE0];
	p1 =	slt.u32 s30, $0x1F0  }
0x7c: {  	s28 =	sadd.s32 $0x40, s28;
	v8 =	vld [tilespmem:s31+$0xFFFFFFF0]  }
0x7d: {  	v9 =	vld [tilespmem:s28+$0x10]  }
0x7e: {  	v10 =	vld [tilespmem:s31+$0x0]  }
0x7f: {  	v11 =	vld [tilespmem:s28+$0xFFFFFFF0];
	v6 =	vsub.s32 v6, v0  }
0x80: {  	v5 =	vsub.s32 v5, v0;
	v12 =	vld [tilespmem:s28+$0x0];
	v13 =	vmul.u32 $0x2710, v6  }
0x81: {  	s29 =	sadd.s32 $0x40, s29;
	vm2 =	vlt.u32 v6, $0x8;
	v14 =	vld [tilespmem:s28+$0xFFFFFFE0];
	v15 =	vmul.u32 $0x2710, v5;
	v8 =	vsub.s32 v8, v0  }
0x82: {  	vm3 =	vlt.u32 v5, $0x8;
	v5 =	vmul.u32 $0x2710, v8;
	v6 =	vld [tilespmem:s29+$0x10];
	v9 =	vadd.s32 v9, v13  }
0x83: {  	vm4 =	vlt.u32 v8, $0x8;
	v13 =	vld [tilespmem:s29+$0xFFFFFFE0];
	v8 =	vsub.s32 v10, v0  }
0x84: {  	v10 =	vld [tilespmem:s29+$0xFFFFFFF0];
	v11 =	vadd.s32 v11, v5;
	vm5 =	vlt.u32 v8, $0x8;
	v8 =	vmul.u32 $0x2710, v8  }
.Ltmp4:
0x85: {  	v5 =	vld [tilespmem:s29+$0x0];
	(pc) =	sbr.rel @p1 .LBB2_7-.Ltmp4, $4  }
0x86: {  	v8 =	vadd.s32 v12, v8;
	[tilespmem:v3+s5+$0x0] =	vst.idx.add.f32.msk vm0, v2;
	v3 =	vadd.s32 v14, v15;
	vm0 =	vmmov vm3  }
0x87: {  	[tilespmem:v9+s5+$0x0] =	vst.idx.add.f32.msk vm2, v6  }
0x88: {  	[tilespmem:v4+s5+$0x0] =	vst.idx.add.f32.msk vm1, v7;
	v2 =	vmov v13;
	v4 =	vmov v8;
	vm1 =	vmmov vm5  }
0x89: {  	s31 =	sadd.s32 $0x40, s31;
	[tilespmem:v11+s5+$0x0] =	vst.idx.add.f32.msk vm4, v10  }
0x8a: {  	_ =	sdelay $0x1  }
.Ltmp5:
0x8b: {  	_ = 	snop;
	(pc) =	sbr.rel @p0 .LBB2_10-.Ltmp5, $3  }
0x8c: {  	_ =	sdelay $0x1  }
0x8d: {  	[tilespmem:v3+s5+$0x0] =	vst.idx.add.f32.msk vm0, v2  }
0x8e: {  	[tilespmem:v4+s5+$0x0] =	vst.idx.add.f32.msk vm1, v5  }
0x8f: {  	s28 =	smul.u32 $0x3E80, s26;
	_ =	sdelay $0x1  }
0x90: {  	s28 =	sadd.s32 s28, s13  }
0x91: {  	s28 =	sshrl.u32 s28, $0x3  }
0x92: {  	s29 =	sadd.s32 s0, s28  }
0x93: {  	[tilespmem:s19], [sflag:$0x2] =	stream.linear.gather [hbm4b:s29+s5], $0x1F40, $0x38;
	[tilespmem:$0x1F580] =	vst v63  }
.Ltmp6:
0x94: {  	_ = 	snop;
	(pc) =	sbr.rel .LBB2_4-.Ltmp6, $4  }
0x95: {  	s31 =	sadd.s32 s2, s28  }
0x96: {  	[tilespmem:s20], [sflag:$0x2] =	stream.linear.gather [hbm4b:s31+s5], $0x1F40, $0x38;
	[tilespmem:$0x1F580] =	vst v63  }
0x97: {  	s26 =	sadd.s32 $0x1, s26;
	s28 =	sadd.s32 s4, s28  }
0x98: {  	[tilespmem:s21], [sflag:$0x2] =	stream.linear.gather [hbm4b:s28+s5], $0x1F40, $0x38;
	[tilespmem:$0x1F580] =	vst v63  }
.LBB2_11:
0x99: {  	_ =	sfence.sel $0x180000  }
0x9a: {  	[bflag:$0x0] =	sbarrier.arrive $0xFFFF  }
0x9b: {  	p0 =	sne.s32 s1, $0x0;
	_ =	strace $0x90000047  }
0x9c: {  	s0 =	sadd.s32 @!p0 $0x100000, s3;
	[bflag:$0x2] =	sbarrier.arrive $0xFFFF  }
0x9d: {  	[sflag:s0] =	ssyncadd.tile.s32 @!p0 $0x1;
	_ =	shalt  }
.Lfunc_end2:
_tile_overlayer_lowered:
.L_overlay_start_2:
0x9e: {  	(tag) =	ssettag $0x2  }
0x9f: {  	s0 =	rddreg [dreg:$0x0];
	s2 =	stileid.u32  }
0xa0: {  	s1 =	rddreg [dreg:$0x1];
	p0 =	sne.s32 s2, $0x0  }
0xa1: {  	s3 =	rddreg [dreg:$0x2];
	[bflag:$0x3] =	sbarrier.arrive $0xFFFF;
	s2 =	simm.s32 @!p0 $0x1C03  }
0xa2: {  	[timem:s3], [sflag:s2] =	dma.local @!p0 [hbm:s0], s1  }
0xa3: {  	s0 =	simm.s32 @!p0 $0x3  }
0xa4: {  	_ =	swait.ge @!p0 [sflag:s0], s1  }
0xa5: {  	s1 =	ssub.s32 @!p0 $0x0, s1;
	[sflag:s0] =	ssyncset.done @!p0 $0x0  }
0xa6: {  	[sflag:s0] =	ssyncadd.s32 @!p0 s1  }
0xa7: {  	[bflag:$0x3] =	sbarrier.arrive $0xFFFF  }
0xa8: {  	_ =	shalt  }

// kernel: _run.8.cloned.1.call-start
scs
__scs_entry_jumppad:
0x0: {  	(pc) =	sbr.rel $0x88, $3  }
0x1: {  	(tag) =	ssettag $0x0;
	lr =	simm.s32 $0x1  }
0x2: {  	[smem:$0x3F9A] =	sst lr;
	_ =	strace $0xD0000000  }
0x3: {  	_ = 	snop  }
0x4: {  	_ = 	snop  }
0x5: {  	_ = 	snop  }
0x6: {  	_ = 	snop  }
0x7: {  	_ = 	snop  }
__scs_overlays_trampoline_lowered:
0x8: {  	[smem:$0x3FA9] =	sst s0  }
0x9: {  	[smem:$0x3FAA] =	sst s1  }
0xa: {  	[smem:$0x3FAB] =	sst s2  }
0xb: {  	[smem:$0x3FAC] =	sst s3  }
0xc: {  	[smem:$0x3FAD] =	sst s4  }
0xd: {  	[smem:$0x3FAE] =	sst s5  }
0xe: {  	[smem:$0x3FAF] =	sst s6  }
0xf: {  	[smem:$0x3FB0] =	sst s7  }
0x10: {  	[smem:$0x3FB1] =	sst s8  }
0x11: {  	[smem:$0x3FB2] =	sst s9;
	s0 =	simm.s32 @!p0 $0x0  }
0x12: {  	s1 =	sld [smem:$0x3F98];
	s0 =	simm.s32 @p0 $0x1  }
0x13: {  	[smem:$0x3FB3] =	sst s0;
	s0 =	simm.s32 @!p1 $0x0  }
0x14: {  	s2 =	sld [smem:$0x3F97];
	s0 =	simm.s32 @p1 $0x1  }
0x15: {  	[smem:$0x3FB4] =	sst s0;
	s0 =	simm.s32 @!p2 $0x0  }
0x16: {  	s3 =	sld [smem:$0x3FDB];
	s0 =	simm.s32 @p2 $0x1  }
0x17: {  	s4 =	simm.s32 $0x1BF5;
	[smem:$0x3FB6] =	sst s0  }
0x18: {  	s0 =	sld [smem:$0x3F99];
	_ =	swait.ge [sflag:s4], $0x0  }
0x19: {  	s7 =	sld [smem:$0x3F9A]  }
0x1a: {  	s8 =	sadd.s32 $0xFFFFE003, lr  }
0x1b: {  	s9 =	sadd.s32 $0xFFFFFEF7, lr;
	s5 =	simm.s32 $0xFFFFFFFF;
	p2 =	slt.u32 s8, $0xFFFFF086  }
0x1c: {  	p1 =	slt.u32 s9, $0xF7A;
	s5 =	simm.s32 @!p2 $0x0  }
0x1d: {  	s5 =	simm.s32 @p1 $0x1;
	p0 =	seq.s32 s7, s2  }
0x1e: {  	s7 =	smul.u32 @!p0 $0xF7A, s2;
	p2 =	seq.s32 @!p0 s5, $0x0  }
0x1f: {  	s9 =	smul.u32 $0xF7A, s1;
	s8 =	simm.s32 @!p0 $0x1BF5;
	p2 =	por !p2, p0  }
0x20: {  	[sflag:s8] =	ssyncset.s32 @!p0 $0xFFFFF086;
	s6 =	sadd.s32 @!p0 s3, s7;
	s7 =	simm.s32 @!p0 $0x108  }
0x21: {  	s3 =	sadd.s32 s3, s9;
	s6 =	sadd.s32 @!p0 $0x88, s6;
	s7 =	simm.s32 @p2 $0x1082  }
0x22: {  	[simem:s7], [sflag:s8] =	dma.local @!p0 [hbm:s6], $0xF7A  }
0x23: {  	s9 =	sor.u32 $0xD0000000, s2;
	s6 =	simm.s32 $0x108;
	_ =	swait.ge @!p0 [sflag:s8], $0x0  }
0x24: {  	s3 =	sadd.s32 $0x88, s3;
	s6 =	simm.s32 @!p1 $0x1082;
	[sflag:s4] =	ssyncset.s32 $0xFFFFF086  }
0x25: {  	[simem:s6], [sflag:s4] =	dma.local [hbm:s3], $0xF7A  }
0x26: {  	[smem:$0x3F9A] =	sst s1;
	(tag) =	ssettag s2;
	_ =	strace s9  }
0x27: {  	s1 =	sld [smem:$0x3FAA]  }
0x28: {  	s2 =	sld [smem:$0x3FAB]  }
0x29: {  	s4 =	sld [smem:$0x3FAD]  }
0x2a: {  	p0 =	seq.s32 s5, $0x0;
	s5 =	sld [smem:$0x3FAE]  }
0x2b: {  	s6 =	sld [smem:$0x3FAF]  }
0x2c: {  	s7 =	sld [smem:$0x3FB0]  }
0x2d: {  	s3 =	simm.s32 $0x108;
	s8 =	sld [smem:$0x3FB1]  }
0x2e: {  	s3 =	simm.s32 @!p0 $0x1082;
	s9 =	sld [smem:$0x3FB2]  }
0x2f: {  	lr =	sadd.s32 s0, s3;
	s0 =	sld [smem:$0x3FA9]  }
0x30: {  	s3 =	sld [smem:$0x3FAC]  }
0x31: {  	[smem:$0x3FB5] =	sst s10  }
0x32: {  	s10 =	sld [smem:$0x3FB3];
	_ =	sdelay $0x3  }
0x33: {  	p0 =	seq.s32 s10, $0x1;
	s10 =	sld [smem:$0x3FB5];
	_ =	sdelay $0x3  }
0x34: {  	[smem:$0x3FB5] =	sst s10  }
0x35: {  	s10 =	sld [smem:$0x3FB4];
	_ =	sdelay $0x3  }
0x36: {  	p1 =	seq.s32 s10, $0x1;
	s10 =	sld [smem:$0x3FB5];
	_ =	sdelay $0x3  }
0x37: {  	[smem:$0x3FB5] =	sst s10  }
0x38: {  	s10 =	sld [smem:$0x3FB6]  }
0x39: {  	_ = 	snop;
	(pc) =	sbr.ind lr, $3  }
0x3a: {  	_ = 	snop  }
0x3b: {  	_ = 	snop  }
0x3c: {  	p2 =	seq.s32 s10, $0x1;
	s10 =	sld [smem:$0x3FB5]  }
0x3d: {  	_ =	shalt  }
0x3e: {  	_ =	shalt  }
0x3f: {  	_ =	shalt  }
0x40: {  	_ =	shalt  }
0x41: {  	_ =	shalt  }
0x42: {  	_ =	shalt  }
0x43: {  	_ =	shalt  }
0x44: {  	_ =	shalt  }
0x45: {  	_ =	shalt  }
0x46: {  	_ =	shalt  }
0x47: {  	_ =	shalt  }
0x48: {  	_ =	shalt  }
0x49: {  	_ =	shalt  }
0x4a: {  	_ =	shalt  }
0x4b: {  	_ =	shalt  }
0x4c: {  	_ =	shalt  }
0x4d: {  	_ =	shalt  }
0x4e: {  	_ =	shalt  }
0x4f: {  	_ =	shalt  }
0x50: {  	_ =	shalt  }
0x51: {  	_ =	shalt  }
0x52: {  	_ =	shalt  }
0x53: {  	_ =	shalt  }
0x54: {  	_ =	shalt  }
0x55: {  	_ =	shalt  }
0x56: {  	_ =	shalt  }
0x57: {  	_ =	shalt  }
0x58: {  	_ =	shalt  }
0x59: {  	_ =	shalt  }
0x5a: {  	_ =	shalt  }
0x5b: {  	_ =	shalt  }
0x5c: {  	_ =	shalt  }
0x5d: {  	_ =	shalt  }
0x5e: {  	_ =	shalt  }
0x5f: {  	_ =	shalt  }
0x60: {  	_ =	shalt  }
0x61: {  	_ =	shalt  }
0x62: {  	_ =	shalt  }
0x63: {  	_ =	shalt  }
0x64: {  	_ =	shalt  }
0x65: {  	_ =	shalt  }
0x66: {  	_ =	shalt  }
0x67: {  	_ =	shalt  }
0x68: {  	_ =	shalt  }
0x69: {  	_ =	shalt  }
0x6a: {  	_ =	shalt  }
0x6b: {  	_ =	shalt  }
0x6c: {  	_ =	shalt  }
0x6d: {  	_ =	shalt  }
0x6e: {  	_ =	shalt  }
0x6f: {  	_ =	shalt  }
0x70: {  	_ =	shalt  }
0x71: {  	_ =	shalt  }
0x72: {  	_ =	shalt  }
0x73: {  	_ =	shalt  }
0x74: {  	_ =	shalt  }
0x75: {  	_ =	shalt  }
0x76: {  	_ =	shalt  }
0x77: {  	_ =	shalt  }
0x78: {  	_ =	shalt  }
0x79: {  	_ =	shalt  }
0x7a: {  	_ =	shalt  }
0x7b: {  	_ =	shalt  }
0x7c: {  	_ =	shalt  }
0x7d: {  	_ =	shalt  }
0x7e: {  	_ =	shalt  }
0x7f: {  	_ =	shalt  }
0x80: {  	_ =	shalt  }
0x81: {  	_ =	shalt  }
0x82: {  	_ =	shalt  }
0x83: {  	_ =	shalt  }
0x84: {  	_ =	shalt  }
0x85: {  	_ =	shalt  }
0x86: {  	_ =	shalt  }
0x87: {  	_ =	shalt  }
.Lfunc_end0:
.L_simem_size_0:
called_computation.1_lowered:
.L_overlay_start_0:
0x88: {  	s2 =	sld [smem:$0x3FD9]  }
0x89: {  	s3 =	sld [smem:$0x3FFE];
	_ =	sdelay $0x1  }
0x8a: {  	s1 =	srdreg.scid  }
0x8b: {  	s0 =	sand.u32 $0x1, s1  }
0x8c: {  	s17 =	sshll.u32 s0, $0xA;
	s2 =	sadd.s32 s3, s2  }
0x8d: {  	s2 =	sadd.s32 s2, s17  }
0x8e: {  	[smem:$0x3FC1] =	sst s2  }
0x8f: {  	_ = 	snop  }
0x90: {  	s2 =	sld [smem:$0x3FC6]  }
0x91: {  	s18 =	sld [smem:$0x3FC5]  }
0x92: {  	s4 =	sld [smem:$0x3FC4]  }
0x93: {  	s5 =	sld [smem:$0x3FD0];
	(tm) =	ssettm $0x1  }
0x94: {  	s6 =	sld [smem:$0x3FFB];
	_ =	sdelay $0x3  }
0x95: {  	_ =	strace s6  }
0x96: {  	s6 =	sld [smem:$0x3FFC];
	_ =	sdelay $0x3  }
0x97: {  	_ =	strace s6  }
0x98: {  	s6 =	sld [smem:$0x3FFD];
	_ =	sdelay $0x3  }
0x99: {  	_ =	strace s6  }
0x9a: {  	_ =	strace $0x8FFFFFFF  }
0x9b: {  	s19 =	sld [smem:$0x3FDB];
	_ =	sdelay $0x1  }
0x9c: {  	s7 =	simm.s32 $_scs_section_size  }
0x9d: {  	s8 =	simm.s32 $_size__tile_overlayer_lowered;
	s9 =	simm.s32 $_tile_overlayer_lowered  }
0x9e: {  	s22 =	simm.s32 $0x1BFF;
	s21 =	sshll.u32 s9, $0x1;
	s6 =	sadd.s32 s7, s19  }
0x9f: {  	s10 =	simm.s32 $0x0;
	s20 =	sshll.u32 s8, $0x1;
	s8 =	sadd.s32 s21, s6  }
0xa0: {  	[timem:s10], [sflag:s22] =	dma.local [hbm:s8], s20  }
0xa1: {  	_ =	swait.ge [sflag:s22], s20  }
0xa2: {  	s7 =	ssub.s32 $0x0, s20;
	[sflag:s22] =	ssyncset.done $0x0  }
0xa3: {  	[sflag:s22] =	ssyncadd.s32 s7;
	_ =	sdelay $0x1  }
0xa4: {  	s23 =	simm.s32 $0x1B8B  }
0xa5: {  	_ =	swait.ge [sflag:s23], $0x1  }
0xa6: {  	[sflag:s23] =	ssyncset.done $0x0  }
0xa7: {  	s25 =	simm.s32 $0x1B8E;
	s24 =	sld [smem:$0x3FFE];
	[sflag:s23] =	ssyncadd.s32 $0xFFFFFFFF  }
0xa8: {  	s26 =	simm.s32 $execute0_lowered;
	[smem:$0x3FD2] =	sst s25  }
0xa9: {  	s8 =	sshll.u32 s26, $0x1;
	_ =	strace $0x80000049;
	[dreg:$0x1] =	wrdreg $0xFFFFFFFF  }
0xaa: {  	s28 =	simm.s32 $_size_execute0_lowered;
	s6 =	sadd.s32 s6, s8;
	[dreg:$0x0] =	wrdreg $0x0  }
0xab: {  	s8 =	sshll.u32 s28, $0x1;
	[dreg:$0x2] =	wrdreg s6  }
0xac: {  	[dreg:$0x3] =	wrdreg s8  }
0xad: {  	[dreg:$0x4] =	wrdreg $0xC0  }
0xae: {  	_ =	task [dreg:s10], $0x5FFFF  }
0xaf: {  	[dreg:$0x1] =	wrdreg $0xFFFFFFFF  }
0xb0: {  	[dreg:$0x0] =	wrdreg $0x60  }
0xb1: {  	[dreg:$0x2] =	wrdreg s2  }
0xb2: {  	[dreg:$0x3] =	wrdreg s18  }
0xb3: {  	[dreg:$0x4] =	wrdreg s4  }
0xb4: {  	[dreg:$0x5] =	wrdreg s5  }
0xb5: {  	[dreg:$0x6] =	wrdreg s24  }
0xb6: {  	[dreg:$0x7] =	wrdreg $0x9  }
0xb7: {  	_ =	task.clear_ibuf [dreg:s10], $0x8FFFF;
	_ =	strace $0x90000049  }
0xb8: {  	s29 =	simm.s32 $0x9;
	_ =	strace $0x8000004B  }
0xb9: {  	_ =	swait.ge [sflag:s29], $0x1  }
0xba: {  	[sflag:s29] =	ssyncadd.s32 $0xFFFFFFFF  }
0xbb: {  	_ =	strace $0x9000004B  }
0xbc: {  	_ =	sfence  }
0xbd: {  	s30 =	sld [smem:$0x0];
	_ =	sdelay $0x2  }
0xbe: {  	s31 =	sshll.u32 s1, $0xD;
	s1 =	sshrl.u32 s1, $0x2  }
0xbf: {  	s3 =	sand.u32 $0x4000, s31;
	s1 =	sadd.s32 s1, s30  }
0xc0: {  	s0 =	sor.u32 s3, s0;
	s1 =	sshll.u32 s1, $0x11  }
0xc1: {  	s0 =	sor.u32 s1, s0  }
0xc2: {  	s0 =	sadd.s32 $0x8F2B, s0  }
0xc3: {  	[sflag:s0] =	ssyncadd.remote.s32 $0x1  }
0xc4: {  	_ =	sfence.sel $0xFFFF  }
0xc5: {  	[dreg:$0x0] =	wrdreg $0xFFFFFFFF;
	(pc) =	sbr.abs _section_cstart, $3  }
0xc6: {  	[dreg:$0x1] =	wrdreg $0xFFFFFFFF  }
0xc7: {  	_ =	task.clear_ibuf [dreg:s10], $0x2FFFF;
	_ =	strace $0x9FFFFFFF  }
0xc8: {  	(tm) =	ssettm $0x7FFFFFFF  }
0xc9: {  	_ =	shalt  }
tec
execute0_lowered:
.L_overlay_start_1:
0x0: {  	(tag) =	ssettag $0x1  }
0x1: {  	s1 =	rddreg [dreg:$0x0]  }
0x2: {  	s2 =	rddreg [dreg:$0x1]  }
0x3: {  	s4 =	srdreg.scid;
	s3 =	rddreg [dreg:$0x2]  }
0x4: {  	s0 =	stileid.u32;
	s7 =	rddreg [dreg:$0x3]  }
0x5: {  	s9 =	rddreg [dreg:$0x4];
	s5 =	simm.s32 $0x0;
	s12 =	simm.s32 $0x3  }
0x6: {  	s13 =	simm.s32 $0x13900;
	s14 =	simm.s32 $0x15200;
	s15 =	simm.s32 $0x16B00  }
0x7: {  	s16 =	simm.s32 $0x18400;
	s17 =	simm.s32 $0x19D00;
	s18 =	simm.s32 $0x1B600  }
0x8: {  	s19 =	simm.s32 $0x1;
	s20 =	simm.s32 $0x9C80;
	s21 =	simm.s32 $0x2  }
0x9: {  	s22 =	simm.s32 $0x80;
	s23 =	simm.s32 $0x400;
	s24 =	simm.s32 $0x4  }
0xa: {  	s25 =	simm.s32 $0x0;
	s6 =	sand.u32 $0x1, s4;
	s28 =	sshll.u32 s0, $0x1  }
0xb: {  	s29 =	sshrl.u32 s0, $0x2;
	s4 =	rddreg [dreg:$0x5];
	s8 =	sor.u32 s6, s28  }
0xc: {  	[smem:$0x7FF] =	sst s5;
	s10 =	smul.u32 $0x4E400, s29;
	s11 =	sshll.u32 s8, $0x7  }
0xd: {  	s6 =	ssub.s32 $0x2, s6;
	s8 =	smul.u32 $0x1388, s8;
	s11 =	sand.u32 $0x380, s11  }
0xe: {  	_ =	strace $0x8000004A;
	s30 =	sshrl.u32 s6, $0x1;
	s10 =	sor.u32 s10, s11  }
0xf: {  	s31 =	ssub.s32 s6, s30;
	s6 =	sadd.s32 s7, s8;
	s10 =	sshrl.u32 s10, $0x3  }
0x10: {  	s7 =	sadd.s32 $0x320, s1;
	s8 =	sadd.s32 $0x320, s2;
	s10 =	sadd.s32 s10, s9  }
0x11: {  	v0 =	vimm.f32 $0.0e+00;
	s11 =	smax.u32 s31, $0x1;
	s9 =	sadd.s32 $0x320, s3;
	s10 =	sadd.s32 $0xA00, s10  }
.LBB2_1:
0x12: {  	[tilespmem:s5], [sflag:$0x3] =	stream.linear.gather [hbm4b:s6+s5], $0x9C40, $0x38;
	[tilespmem:$0x1CF00] =	vst v63  }
0x13: {  	s26 =	simm.s32 $0x9CA0  }
0x14: {  	[tilespmem:s26+$0xFFFFFFE0] =	vst v0  }
0x15: {  	[tilespmem:s26+$0x10] =	vst v0  }
0x16: {  	s28 =	simm.s32 $0x0;
	[tilespmem:s26+$0x0] =	vst v0  }
.LBB2_2:
0x17: {  	s28 =	sadd.s32 $0x4, s28  }
0x18: {  	[tilespmem:s26+$0xFFFFFFF0] =	vst v0;
	s26 =	sadd.s32 $0x40, s26;
	p0 =	slt.u32 s28, $0x9C0  }
.Ltmp0:
0x19: {  	[tilespmem:s26+$0xFFFFFFE0] =	vst v0;
	(pc) =	sbr.rel @p0 .LBB2_2-.Ltmp0, $3  }
0x1a: {  	_ =	sdelay $0x1  }
0x1b: {  	[tilespmem:s26+$0x10] =	vst v0  }
0x1c: {  	[tilespmem:s26+$0x0] =	vst v0  }
0x1d: {  	[tilespmem:s26+$0xFFFFFFF0] =	vst v0  }
0x1e: {  	_ =	swait.ge [sflag:s12], $0x9C40  }
0x1f: {  	[sflag:s12] =	ssyncset.done $0x0  }
0x20: {  	s26 =	simm.s32 $0x0;
	[sflag:s12] =	ssyncadd.s32 $0xFFFF63C0  }
0x21: {  	[tilespmem:s13], [sflag:$0x1] =	stream.linear.gather [hbm4b:s1+s26], $0x1900, $0x38;
	[tilespmem:$0x1CF00] =	vst v63  }
0x22: {  	_ = 	snop  }
0x23: {  	[tilespmem:s14], [sflag:$0x1] =	stream.linear.gather [hbm4b:s2+s26], $0x1900, $0x38;
	[tilespmem:$0x1CF00] =	vst v63  }
0x24: {  	_ = 	snop  }
0x25: {  	[tilespmem:s15], [sflag:$0x1] =	stream.linear.gather [hbm4b:s3+s26], $0x1900, $0x38;
	[tilespmem:$0x1CF00] =	vst v63  }
0x26: {  	_ = 	snop  }
0x27: {  	[tilespmem:s16], [sflag:$0x2] =	stream.linear.gather [hbm4b:s7+s26], $0x1900, $0x38;
	[tilespmem:$0x1CF00] =	vst v63  }
0x28: {  	_ = 	snop  }
0x29: {  	[tilespmem:s17], [sflag:$0x2] =	stream.linear.gather [hbm4b:s8+s26], $0x1900, $0x38;
	[tilespmem:$0x1CF00] =	vst v63  }
0x2a: {  	_ = 	snop  }
0x2b: {  	[tilespmem:s18], [sflag:$0x2] =	stream.linear.gather [hbm4b:s9+s26], $0x1900, $0x38;
	[tilespmem:$0x1CF00] =	vst v63  }
.LBB2_4:
0x2c: {  	_ =	swait.ge [sflag:s19], $0x1900  }
0x2d: {  	[sflag:s19] =	ssyncset.done $0x0  }
0x2e: {  	[sflag:s19] =	ssyncadd.s32 $0xFFFFE700  }
0x2f: {  	_ =	swait.ge [sflag:s19], $0x1900  }
0x30: {  	[sflag:s19] =	ssyncset.done $0x0  }
0x31: {  	[sflag:s19] =	ssyncadd.s32 $0xFFFFE700  }
0x32: {  	_ =	swait.ge [sflag:s19], $0x1900  }
0x33: {  	[sflag:s19] =	ssyncset.done $0x0  }
0x34: {  	s28 =	simm.s32 $0x16B20;
	[sflag:s19] =	ssyncadd.s32 $0xFFFFE700  }
0x35: {  	s30 =	simm.s32 $0x13920;
	v1 =	vld [tilespmem:s28+$0xFFFFFFE0]  }
0x36: {  	v2 =	vld [tilespmem:s30+$0xFFFFFFE0]  }
0x37: {  	v6 =	vld [tilespmem:s30+$0xFFFFFFF0]  }
0x38: {  	s29 =	simm.s32 $0x15220;
	v4 =	vld [tilespmem:s28+$0xFFFFFFF0]  }
0x39: {  	v8 =	vld [tilespmem:s29+$0x10]  }
0x3a: {  	v10 =	vld [tilespmem:s29+$0x0]  }
0x3b: {  	v12 =	vld [tilespmem:s29+$0xFFFFFFF0]  }
0x3c: {  	v13 =	vld [tilespmem:s29+$0xFFFFFFE0]  }
0x3d: {  	v3 =	vld [tilespmem:s30+$0x0]  }
0x3e: {  	v5 =	vld [tilespmem:s28+$0x0]  }
0x3f: {  	v7 =	vld [tilespmem:s30+$0x10];
	v9 =	vadd.s32 $0x7530, v8  }
0x40: {  	v22 =	vld [tilespmem:s28+$0x10];
	v11 =	vadd.s32 $0x4E20, v8  }
0x41: {  	v14 =	vadd.s32 $0x7530, v10;
	v15 =	vld.idx.msk [tilespmem:v8+s5+$0x0], $0xffff  }
0x42: {  	v16 =	vadd.s32 $0x7530, v12;
	v17 =	vld.idx.msk [tilespmem:v10+s5+$0x0], $0xffff  }
0x43: {  	v8 =	vadd.s32 $0x2710, v8;
	v23 =	vld.idx.msk [tilespmem:v12+s5+$0x0], $0xffff  }
0x44: {  	v19 =	vadd.s32 $0x4E20, v10;
	v20 =	vld.idx.msk [tilespmem:v9+s5+$0x0], $0xffff  }
0x45: {  	v18 =	vadd.s32 $0x7530, v13;
	v21 =	vld.idx.msk [tilespmem:v11+s5+$0x0], $0xffff  }
0x46: {  	v9 =	vld.idx.msk [tilespmem:v14+s5+$0x0], $0xffff  }
0x47: {  	v11 =	vld.idx.msk [tilespmem:v16+s5+$0x0], $0xffff  }
0x48: {  	v24 =	vld.idx.msk [tilespmem:v8+s5+$0x0], $0xffff;
	v8 =	vadd.s32 $0x2710, v10  }
0x49: {  	v16 =	vld.idx.msk [tilespmem:v19+s5+$0x0], $0xffff  }
0x4a: {  	v25 =	vadd.s32 $0x2710, v12;
	v14 =	vmul.f32 v15, v22;
	v10 =	vld.idx.msk [tilespmem:v18+s5+$0x0], $0xffff  }
0x4b: {  	v26 =	vmul.f32 v17, v5;
	v18 =	vld.idx.msk [tilespmem:v13+s5+$0x0], $0xffff;
	v17 =	vadd.s32 $0x4E20, v13  }
0x4c: {  	v15 =	vadd.s32 $0x4E20, v12;
	[tilespmem:v7+s20+$0x0] =	vst.idx.add.f32.msk $0xffff, v14  }
0x4d: {  	v23 =	vmul.f32 v23, v4;
	v19 =	vld.idx.msk [tilespmem:v8+s5+$0x0], $0xffff  }
0x4e: {  	v14 =	vadd.s32 $0x2710, v13;
	v12 =	vmul.f32 v21, v22;
	v21 =	vadd.s32 $0x2710, v7;
	[tilespmem:v3+s20+$0x0] =	vst.idx.add.f32.msk $0xffff, v26  }
0x4f: {  	s31 =	simm.s32 $0x13960;
	s30 =	simm.s32 $0x0;
	v13 =	vadd.s32 $0x2710, v3;
	v8 =	vmul.f32 v20, v22;
	v20 =	vld.idx.msk [tilespmem:v25+s5+$0x0], $0xffff;
	v22 =	vmul.f32 v24, v22  }
.LBB2_5:
0x50: {  	s30 =	sadd.s32 $0x4, s30;
	v17 =	vld.idx.msk [tilespmem:v17+s5+$0x0], $0xffff;
	s28 =	sadd.s32 $0x40, s28;
	s29 =	sadd.s32 $0x40, s29  }
0x51: {  	p0 =	slt.u32 s30, $0x18C;
	v15 =	vld.idx.msk [tilespmem:v15+s5+$0x0], $0xffff  }
0x52: {  	v16 =	vmul.f32 v16, v5;
	[tilespmem:v6+s20+$0x0] =	vst.idx.add.f32.msk $0xffff, v23;
	v23 =	vadd.s32 $0x2710, v6  }
0x53: {  	v24 =	vadd.s32 $0x4E20, v3;
	v19 =	vmul.f32 v19, v5;
	[tilespmem:v21+s20+$0x0] =	vst.idx.add.f32.msk $0xffff, v22  }
0x54: {  	v18 =	vmul.f32 v18, v1;
	v21 =	vadd.s32 $0x4E20, v6;
	v14 =	vld.idx.msk [tilespmem:v14+s5+$0x0], $0xffff  }
0x55: {  	v5 =	vmul.f32 v9, v5;
	v6 =	vadd.s32 $0x7530, v6;
	v20 =	vmul.f32 v20, v4;
	[tilespmem:v13+s20+$0x0] =	vst.idx.add.f32.msk $0xffff, v19  }
0x56: {  	v9 =	vmul.f32 v10, v1;
	v10 =	vadd.s32 $0x4E20, v7;
	[tilespmem:v2+s20+$0x0] =	vst.idx.add.f32.msk $0xffff, v18  }
0x57: {  	v13 =	vadd.s32 $0x2710, v2;
	v15 =	vmul.f32 v15, v4;
	[tilespmem:v23+s20+$0x0] =	vst.idx.add.f32.msk $0xffff, v20  }
0x58: {  	v18 =	vadd.s32 $0x4E20, v2;
	v4 =	vmul.f32 v11, v4;
	[tilespmem:v24+s20+$0x0] =	vst.idx.add.f32.msk $0xffff, v16  }
0x59: {  	v7 =	vadd.s32 $0x7530, v7;
	v2 =	vadd.s32 $0x7530, v2;
	[tilespmem:v21+s20+$0x0] =	vst.idx.add.f32.msk $0xffff, v15  }
0x5a: {  	v3 =	vadd.s32 $0x7530, v3;
	v11 =	vmul.f32 v14, v1;
	v1 =	vmul.f32 v17, v1;
	[tilespmem:v6+s20+$0x0] =	vst.idx.add.f32.msk $0xffff, v4  }
0x5b: {  	[tilespmem:v10+s20+$0x0] =	vst.idx.add.f32.msk $0xffff, v12  }
0x5c: {  	[tilespmem:v13+s20+$0x0] =	vst.idx.add.f32.msk $0xffff, v11  }
0x5d: {  	[tilespmem:v18+s20+$0x0] =	vst.idx.add.f32.msk $0xffff, v1  }
0x5e: {  	[tilespmem:v7+s20+$0x0] =	vst.idx.add.f32.msk $0xffff, v8  }
0x5f: {  	[tilespmem:v3+s20+$0x0] =	vst.idx.add.f32.msk $0xffff, v5  }
0x60: {  	[tilespmem:v2+s20+$0x0] =	vst.idx.add.f32.msk $0xffff, v9  }
0x61: {  	v1 =	vld [tilespmem:s28+$0xFFFFFFE0]  }
0x62: {  	v2 =	vld [tilespmem:s31+$0xFFFFFFE0]  }
0x63: {  	v6 =	vld [tilespmem:s31+$0xFFFFFFF0]  }
0x64: {  	v4 =	vld [tilespmem:s28+$0xFFFFFFF0]  }
0x65: {  	v8 =	vld [tilespmem:s29+$0x10]  }
0x66: {  	v9 =	vld [tilespmem:s29+$0x0]  }
0x67: {  	v10 =	vld [tilespmem:s29+$0xFFFFFFF0]  }
0x68: {  	v18 =	vld [tilespmem:s29+$0xFFFFFFE0]  }
0x69: {  	v3 =	vld [tilespmem:s31+$0x0]  }
0x6a: {  	v5 =	vld [tilespmem:s28+$0x0];
	v11 =	vadd.s32 $0x2710, v8;
	v12 =	vadd.s32 $0x4E20, v8;
	v16 =	vadd.s32 $0x7530, v8  }
0x6b: {  	v19 =	vadd.s32 $0x2710, v9;
	v20 =	vadd.s32 $0x4E20, v9;
	v21 =	vadd.s32 $0x7530, v9;
	v7 =	vld [tilespmem:s31+$0x10]  }
0x6c: {  	v22 =	vadd.s32 $0x2710, v10;
	v15 =	vadd.s32 $0x4E20, v10;
	v23 =	vadd.s32 $0x7530, v10;
	v24 =	vld [tilespmem:s28+$0x10]  }
0x6d: {  	v14 =	vadd.s32 $0x2710, v18;
	v17 =	vadd.s32 $0x4E20, v18;
	v25 =	vadd.s32 $0x7530, v18;
	v8 =	vld.idx.msk [tilespmem:v8+s5+$0x0], $0xffff  }
0x6e: {  	v26 =	vld.idx.msk [tilespmem:v9+s5+$0x0], $0xffff;
	v13 =	vadd.s32 $0x2710, v3  }
0x6f: {  	v16 =	vld.idx.msk [tilespmem:v16+s5+$0x0], $0xffff  }
0x70: {  	v12 =	vld.idx.msk [tilespmem:v12+s5+$0x0], $0xffff  }
0x71: {  	v9 =	vld.idx.msk [tilespmem:v21+s5+$0x0], $0xffff  }
0x72: {  	v21 =	vld.idx.msk [tilespmem:v10+s5+$0x0], $0xffff  }
0x73: {  	v27 =	vmul.f32 v8, v24;
	v28 =	vld.idx.msk [tilespmem:v11+s5+$0x0], $0xffff  }
0x74: {  	v11 =	vld.idx.msk [tilespmem:v23+s5+$0x0], $0xffff  }
0x75: {  	v8 =	vmul.f32 v16, v24;
	v10 =	vld.idx.msk [tilespmem:v25+s5+$0x0], $0xffff;
	v25 =	vmul.f32 v26, v5  }
0x76: {  	v12 =	vmul.f32 v12, v24;
	v16 =	vld.idx.msk [tilespmem:v20+s5+$0x0], $0xffff  }
.Ltmp1:
0x77: {  	[tilespmem:v7+s20+$0x0] =	vst.idx.add.f32.msk $0xffff, v27;
	(pc) =	sbr.rel @p0 .LBB2_5-.Ltmp1, $4  }
0x78: {  	v18 =	vld.idx.msk [tilespmem:v18+s5+$0x0], $0xffff  }
0x79: {  	v19 =	vld.idx.msk [tilespmem:v19+s5+$0x0], $0xffff  }
0x7a: {  	v23 =	vmul.f32 v21, v4;
	v21 =	vadd.s32 $0x2710, v7;
	[tilespmem:v3+s20+$0x0] =	vst.idx.add.f32.msk $0xffff, v25  }
0x7b: {  	s31 =	sadd.s32 $0x40, s31;
	v20 =	vld.idx.msk [tilespmem:v22+s5+$0x0], $0xffff;
	v22 =	vmul.f32 v28, v24  }
0x7c: {  	_ =	sdelay $0x3  }
0x7d: {  	v17 =	vld.idx.msk [tilespmem:v17+s5+$0x0], $0xffff  }
0x7e: {  	v15 =	vld.idx.msk [tilespmem:v15+s5+$0x0], $0xffff  }
0x7f: {  	[tilespmem:v6+s20+$0x0] =	vst.idx.add.f32.msk $0xffff, v23;
	v23 =	vadd.s32 $0x2710, v6  }
0x80: {  	v24 =	vadd.s32 $0x4E20, v3;
	v14 =	vld.idx.msk [tilespmem:v14+s5+$0x0], $0xffff;
	v18 =	vmul.f32 v18, v1  }
0x81: {  	[tilespmem:v21+s20+$0x0] =	vst.idx.add.f32.msk $0xffff, v22;
	v21 =	vadd.s32 $0x4E20, v6;
	v19 =	vmul.f32 v19, v5  }
0x82: {  	v3 =	vadd.s32 $0x7530, v3;
	[tilespmem:v2+s20+$0x0] =	vst.idx.add.f32.msk $0xffff, v18;
	v20 =	vmul.f32 v20, v4  }
0x83: {  	v6 =	vadd.s32 $0x7530, v6;
	[tilespmem:v13+s20+$0x0] =	vst.idx.add.f32.msk $0xffff, v19;
	v13 =	vmul.f32 v16, v5  }
0x84: {  	v18 =	vadd.s32 $0x2710, v2;
	v15 =	vmul.f32 v15, v4;
	[tilespmem:v23+s20+$0x0] =	vst.idx.add.f32.msk $0xffff, v20  }
0x85: {  	v16 =	vadd.s32 $0x4E20, v7;
	v5 =	vmul.f32 v9, v5;
	[tilespmem:v24+s20+$0x0] =	vst.idx.add.f32.msk $0xffff, v13  }
0x86: {  	v19 =	vadd.s32 $0x4E20, v2;
	v4 =	vmul.f32 v11, v4;
	[tilespmem:v21+s20+$0x0] =	vst.idx.add.f32.msk $0xffff, v15  }
0x87: {  	v7 =	vadd.s32 $0x7530, v7;
	v11 =	vmul.f32 v14, v1;
	[tilespmem:v3+s20+$0x0] =	vst.idx.add.f32.msk $0xffff, v5  }
0x88: {  	p0 =	seq.s32 s26, $0x18;
	v2 =	vadd.s32 $0x7530, v2;
	[tilespmem:v6+s20+$0x0] =	vst.idx.add.f32.msk $0xffff, v4  }
0x89: {  	s28 =	smul.u32 @!p0 $0x3200, s26;
	v4 =	vmul.f32 v17, v1;
	[tilespmem:v18+s20+$0x0] =	vst.idx.add.f32.msk $0xffff, v11  }
0x8a: {  	[tilespmem:v16+s20+$0x0] =	vst.idx.add.f32.msk $0xffff, v12  }
0x8b: {  	s28 =	sshrl.u32 @!p0 s28, $0x3;
	v1 =	vmul.f32 v10, v1;
	[tilespmem:v19+s20+$0x0] =	vst.idx.add.f32.msk $0xffff, v4  }
0x8c: {  	s28 =	sadd.s32 @!p0 $0x640, s28;
	[tilespmem:v7+s20+$0x0] =	vst.idx.add.f32.msk $0xffff, v8  }
0x8d: {  	s30 =	simm.s32 @!p0 $0x0;
	s31 =	simm.s32 @!p0 $0x13900;
	s29 =	sadd.s32 @!p0 s1, s28;
	[tilespmem:v2+s20+$0x0] =	vst.idx.add.f32.msk $0xffff, v1  }
0x8e: {  	[tilespmem:s31], [sflag:$0x1] =	stream.linear.gather @!p0 [hbm4b:s29+s30], $0x1900, $0x38;
	[tilespmem:$0x1CF00] =	vst v63  }
0x8f: {  	s29 =	sadd.s32 @!p0 s2, s28;
	s31 =	simm.s32 @!p0 $0x15200  }
0x90: {  	[tilespmem:s31], [sflag:$0x1] =	stream.linear.gather @!p0 [hbm4b:s29+s30], $0x1900, $0x38;
	[tilespmem:$0x1CF00] =	vst v63  }
0x91: {  	s28 =	sadd.s32 @!p0 s3, s28;
	s29 =	simm.s32 @!p0 $0x16B00  }
0x92: {  	[tilespmem:s29], [sflag:$0x1] =	stream.linear.gather @!p0 [hbm4b:s28+s30], $0x1900, $0x38;
	[tilespmem:$0x1CF00] =	vst v63  }
0x93: {  	_ =	swait.ge [sflag:s21], $0x1900  }
0x94: {  	[sflag:s21] =	ssyncset.done $0x0  }
0x95: {  	[sflag:s21] =	ssyncadd.s32 $0xFFFFE700  }
0x96: {  	_ =	swait.ge [sflag:s21], $0x1900  }
0x97: {  	[sflag:s21] =	ssyncset.done $0x0  }
0x98: {  	[sflag:s21] =	ssyncadd.s32 $0xFFFFE700  }
0x99: {  	_ =	swait.ge [sflag:s21], $0x1900  }
0x9a: {  	[sflag:s21] =	ssyncset.done $0x0  }
0x9b: {  	s28 =	simm.s32 $0x1B620;
	[sflag:s21] =	ssyncadd.s32 $0xFFFFE700  }
0x9c: {  	s30 =	simm.s32 $0x18420;
	v1 =	vld [tilespmem:s28+$0xFFFFFFE0]  }
0x9d: {  	v2 =	vld [tilespmem:s30+$0xFFFFFFE0]  }
0x9e: {  	v5 =	vld [tilespmem:s30+$0xFFFFFFF0]  }
0x9f: {  	s29 =	simm.s32 $0x19D20;
	v4 =	vld [tilespmem:s28+$0xFFFFFFF0]  }
0xa0: {  	v8 =	vld [tilespmem:s29+$0x10]  }
0xa1: {  	v10 =	vld [tilespmem:s29+$0x0]  }
0xa2: {  	v12 =	vld [tilespmem:s29+$0xFFFFFFF0]  }
0xa3: {  	v13 =	vld [tilespmem:s29+$0xFFFFFFE0]  }
0xa4: {  	v3 =	vld [tilespmem:s30+$0x0]  }
0xa5: {  	v6 =	vld [tilespmem:s28+$0x0]  }
0xa6: {  	v7 =	vld [tilespmem:s30+$0x10];
	v9 =	vadd.s32 $0x7530, v8  }
0xa7: {  	v22 =	vld [tilespmem:s28+$0x10];
	v11 =	vadd.s32 $0x4E20, v8  }
0xa8: {  	v14 =	vadd.s32 $0x7530, v10;
	v15 =	vld.idx.msk [tilespmem:v8+s5+$0x0], $0xffff  }
0xa9: {  	v16 =	vadd.s32 $0x7530, v12;
	v17 =	vld.idx.msk [tilespmem:v10+s5+$0x0], $0xffff  }
0xaa: {  	v8 =	vadd.s32 $0x2710, v8;
	v23 =	vld.idx.msk [tilespmem:v12+s5+$0x0], $0xffff  }
0xab: {  	v19 =	vadd.s32 $0x4E20, v10;
	v20 =	vld.idx.msk [tilespmem:v9+s5+$0x0], $0xffff  }
0xac: {  	v18 =	vadd.s32 $0x7530, v13;
	v21 =	vld.idx.msk [tilespmem:v11+s5+$0x0], $0xffff  }
0xad: {  	v9 =	vld.idx.msk [tilespmem:v14+s5+$0x0], $0xffff  }
0xae: {  	v11 =	vld.idx.msk [tilespmem:v16+s5+$0x0], $0xffff  }
0xaf: {  	v63 =	vld.idx.msk [tilespmem:v8+s5+$0x0], $0xffff;
	v8 =	vadd.s32 $0x2710, v10  }
0xb0: {  	v16 =	vld.idx.msk [tilespmem:v19+s5+$0x0], $0xffff  }
0xb1: {  	v25 =	vadd.s32 $0x2710, v12;
	v14 =	vmul.f32 v15, v22;
	v10 =	vld.idx.msk [tilespmem:v18+s5+$0x0], $0xffff  }
0xb2: {  	v26 =	vmul.f32 v17, v6;
	v18 =	vld.idx.msk [tilespmem:v13+s5+$0x0], $0xffff;
	v17 =	vadd.s32 $0x4E20, v13  }
0xb3: {  	v15 =	vadd.s32 $0x4E20, v12;
	[tilespmem:v7+s20+$0x0] =	vst.idx.add.f32.msk $0xffff, v14  }
0xb4: {  	v23 =	vmul.f32 v23, v4;
	v19 =	vld.idx.msk [tilespmem:v8+s5+$0x0], $0xffff  }
0xb5: {  	v14 =	vadd.s32 $0x2710, v13;
	v12 =	vmul.f32 v21, v22;
	v21 =	vadd.s32 $0x2710, v7;
	[tilespmem:v3+s20+$0x0] =	vst.idx.add.f32.msk $0xffff, v26  }
0xb6: {  	s31 =	simm.s32 $0x18460;
	s30 =	simm.s32 $0x0;
	v13 =	vadd.s32 $0x2710, v3;
	v8 =	vmul.f32 v20, v22;
	v20 =	vld.idx.msk [tilespmem:v25+s5+$0x0], $0xffff;
	v22 =	vmul.f32 v63, v22  }
.LBB2_7:
0xb7: {  	s30 =	sadd.s32 $0x4, s30;
	v17 =	vld.idx.msk [tilespmem:v17+s5+$0x0], $0xffff;
	s28 =	sadd.s32 $0x40, s28;
	s29 =	sadd.s32 $0x40, s29  }
0xb8: {  	p1 =	slt.u32 s30, $0x18C;
	v15 =	vld.idx.msk [tilespmem:v15+s5+$0x0], $0xffff  }
0xb9: {  	v16 =	vmul.f32 v16, v6;
	[tilespmem:v5+s20+$0x0] =	vst.idx.add.f32.msk $0xffff, v23;
	v23 =	vadd.s32 $0x2710, v5  }
0xba: {  	v24 =	vadd.s32 $0x4E20, v3;
	v19 =	vmul.f32 v19, v6;
	[tilespmem:v21+s20+$0x0] =	vst.idx.add.f32.msk $0xffff, v22  }
0xbb: {  	v18 =	vmul.f32 v18, v1;
	v21 =	vadd.s32 $0x4E20, v5;
	v14 =	vld.idx.msk [tilespmem:v14+s5+$0x0], $0xffff  }
0xbc: {  	v6 =	vmul.f32 v9, v6;
	v5 =	vadd.s32 $0x7530, v5;
	v20 =	vmul.f32 v20, v4;
	[tilespmem:v13+s20+$0x0] =	vst.idx.add.f32.msk $0xffff, v19  }
0xbd: {  	v9 =	vmul.f32 v10, v1;
	v10 =	vadd.s32 $0x4E20, v7;
	[tilespmem:v2+s20+$0x0] =	vst.idx.add.f32.msk $0xffff, v18  }
0xbe: {  	v13 =	vadd.s32 $0x2710, v2;
	v15 =	vmul.f32 v15, v4;
	[tilespmem:v23+s20+$0x0] =	vst.idx.add.f32.msk $0xffff, v20  }
0xbf: {  	v18 =	vadd.s32 $0x4E20, v2;
	v4 =	vmul.f32 v11, v4;
	[tilespmem:v24+s20+$0x0] =	vst.idx.add.f32.msk $0xffff, v16  }
0xc0: {  	v7 =	vadd.s32 $0x7530, v7;
	v2 =	vadd.s32 $0x7530, v2;
	[tilespmem:v21+s20+$0x0] =	vst.idx.add.f32.msk $0xffff, v15  }
0xc1: {  	v3 =	vadd.s32 $0x7530, v3;
	v11 =	vmul.f32 v14, v1;
	v1 =	vmul.f32 v17, v1;
	[tilespmem:v5+s20+$0x0] =	vst.idx.add.f32.msk $0xffff, v4  }
0xc2: {  	[tilespmem:v10+s20+$0x0] =	vst.idx.add.f32.msk $0xffff, v12  }
0xc3: {  	[tilespmem:v13+s20+$0x0] =	vst.idx.add.f32.msk $0xffff, v11  }
0xc4: {  	[tilespmem:v18+s20+$0x0] =	vst.idx.add.f32.msk $0xffff, v1  }
0xc5: {  	[tilespmem:v7+s20+$0x0] =	vst.idx.add.f32.msk $0xffff, v8  }
0xc6: {  	[tilespmem:v3+s20+$0x0] =	vst.idx.add.f32.msk $0xffff, v6  }
0xc7: {  	[tilespmem:v2+s20+$0x0] =	vst.idx.add.f32.msk $0xffff, v9  }
0xc8: {  	v1 =	vld [tilespmem:s28+$0xFFFFFFE0]  }
0xc9: {  	v2 =	vld [tilespmem:s31+$0xFFFFFFE0]  }
0xca: {  	v5 =	vld [tilespmem:s31+$0xFFFFFFF0]  }
0xcb: {  	v4 =	vld [tilespmem:s28+$0xFFFFFFF0]  }
0xcc: {  	v8 =	vld [tilespmem:s29+$0x10]  }
0xcd: {  	v9 =	vld [tilespmem:s29+$0x0]  }
0xce: {  	v10 =	vld [tilespmem:s29+$0xFFFFFFF0]  }
0xcf: {  	v18 =	vld [tilespmem:s29+$0xFFFFFFE0]  }
0xd0: {  	v3 =	vld [tilespmem:s31+$0x0]  }
0xd1: {  	v6 =	vld [tilespmem:s28+$0x0];
	v11 =	vadd.s32 $0x2710, v8;
	v12 =	vadd.s32 $0x4E20, v8;
	v16 =	vadd.s32 $0x7530, v8  }
0xd2: {  	v19 =	vadd.s32 $0x2710, v9;
	v20 =	vadd.s32 $0x4E20, v9;
	v21 =	vadd.s32 $0x7530, v9;
	v7 =	vld [tilespmem:s31+$0x10]  }
0xd3: {  	v22 =	vadd.s32 $0x2710, v10;
	v15 =	vadd.s32 $0x4E20, v10;
	v23 =	vadd.s32 $0x7530, v10;
	v24 =	vld [tilespmem:s28+$0x10]  }
0xd4: {  	v14 =	vadd.s32 $0x2710, v18;
	v17 =	vadd.s32 $0x4E20, v18;
	v25 =	vadd.s32 $0x7530, v18;
	v8 =	vld.idx.msk [tilespmem:v8+s5+$0x0], $0xffff  }
0xd5: {  	v26 =	vld.idx.msk [tilespmem:v9+s5+$0x0], $0xffff;
	v13 =	vadd.s32 $0x2710, v3  }
0xd6: {  	v16 =	vld.idx.msk [tilespmem:v16+s5+$0x0], $0xffff  }
0xd7: {  	v12 =	vld.idx.msk [tilespmem:v12+s5+$0x0], $0xffff  }
0xd8: {  	v9 =	vld.idx.msk [tilespmem:v21+s5+$0x0], $0xffff  }
0xd9: {  	v21 =	vld.idx.msk [tilespmem:v10+s5+$0x0], $0xffff  }
0xda: {  	v27 =	vmul.f32 v8, v24;
	v28 =	vld.idx.msk [tilespmem:v11+s5+$0x0], $0xffff  }
0xdb: {  	v11 =	vld.idx.msk [tilespmem:v23+s5+$0x0], $0xffff  }
0xdc: {  	v8 =	vmul.f32 v16, v24;
	v10 =	vld.idx.msk [tilespmem:v25+s5+$0x0], $0xffff;
	v25 =	vmul.f32 v26, v6  }
0xdd: {  	v12 =	vmul.f32 v12, v24;
	v16 =	vld.idx.msk [tilespmem:v20+s5+$0x0], $0xffff  }
.Ltmp2:
0xde: {  	[tilespmem:v7+s20+$0x0] =	vst.idx.add.f32.msk $0xffff, v27;
	(pc) =	sbr.rel @p1 .LBB2_7-.Ltmp2, $4  }
0xdf: {  	v18 =	vld.idx.msk [tilespmem:v18+s5+$0x0], $0xffff  }
0xe0: {  	v19 =	vld.idx.msk [tilespmem:v19+s5+$0x0], $0xffff  }
0xe1: {  	v23 =	vmul.f32 v21, v4;
	v21 =	vadd.s32 $0x2710, v7;
	[tilespmem:v3+s20+$0x0] =	vst.idx.add.f32.msk $0xffff, v25  }
0xe2: {  	s31 =	sadd.s32 $0x40, s31;
	v20 =	vld.idx.msk [tilespmem:v22+s5+$0x0], $0xffff;
	v22 =	vmul.f32 v28, v24  }
0xe3: {  	_ =	sdelay $0x3  }
0xe4: {  	v17 =	vld.idx.msk [tilespmem:v17+s5+$0x0], $0xffff  }
0xe5: {  	v15 =	vld.idx.msk [tilespmem:v15+s5+$0x0], $0xffff  }
0xe6: {  	[tilespmem:v5+s20+$0x0] =	vst.idx.add.f32.msk $0xffff, v23;
	v24 =	vadd.s32 $0x4E20, v3  }
0xe7: {  	v14 =	vld.idx.msk [tilespmem:v14+s5+$0x0], $0xffff;
	v56 =	vadd.s32 $0x4E20, v7;
	v18 =	vmul.f32 v18, v1  }
0xe8: {  	v52 =	vadd.s32 $0x2710, v5;
	[tilespmem:v21+s20+$0x0] =	vst.idx.add.f32.msk $0xffff, v22;
	v19 =	vmul.f32 v19, v6  }
0xe9: {  	v55 =	vmul.f32 v16, v6;
	v60 =	vadd.s32 $0x7530, v7;
	[tilespmem:v2+s20+$0x0] =	vst.idx.add.f32.msk $0xffff, v18  }
0xea: {  	v3 =	vadd.s32 $0x7530, v3;
	[tilespmem:v13+s20+$0x0] =	vst.idx.add.f32.msk $0xffff, v19  }
0xeb: {  	v53 =	vadd.s32 $0x4E20, v5;
	v20 =	vmul.f32 v20, v4;
	[tilespmem:v24+s20+$0x0] =	vst.idx.add.f32.msk $0xffff, v55  }
0xec: {  	v57 =	vadd.s32 $0x2710, v2;
	[tilespmem:v56+s20+$0x0] =	vst.idx.add.f32.msk $0xffff, v12  }
0xed: {  	v54 =	vadd.s32 $0x7530, v5;
	v63 =	vmul.f32 v9, v6;
	[tilespmem:v52+s20+$0x0] =	vst.idx.add.f32.msk $0xffff, v20  }
0xee: {  	v58 =	vadd.s32 $0x4E20, v2;
	v15 =	vmul.f32 v15, v4;
	[tilespmem:v60+s20+$0x0] =	vst.idx.add.f32.msk $0xffff, v8  }
0xef: {  	v2 =	vadd.s32 $0x7530, v2;
	v61 =	vmul.f32 v14, v1;
	[tilespmem:v3+s20+$0x0] =	vst.idx.add.f32.msk $0xffff, v63  }
.Ltmp3:
0xf0: {  	v59 =	vmul.f32 v11, v4;
	[tilespmem:v53+s20+$0x0] =	vst.idx.add.f32.msk $0xffff, v15;
	(pc) =	sbr.rel @p0 .LBB2_9-.Ltmp3, $4  }
0xf1: {  	v62 =	vmul.f32 v17, v1;
	[tilespmem:v57+s20+$0x0] =	vst.idx.add.f32.msk $0xffff, v61  }
0xf2: {  	v1 =	vmul.f32 v10, v1;
	[tilespmem:v54+s20+$0x0] =	vst.idx.add.f32.msk $0xffff, v59  }
0xf3: {  	[tilespmem:v58+s20+$0x0] =	vst.idx.add.f32.msk $0xffff, v62  }
0xf4: {  	[tilespmem:v2+s20+$0x0] =	vst.idx.add.f32.msk $0xffff, v1  }
0xf5: {  	s28 =	smul.u32 $0x3200, s26;
	_ =	sdelay $0x1  }
0xf6: {  	s28 =	sshrl.u32 s28, $0x3  }
0xf7: {  	s28 =	sadd.s32 $0x960, s28  }
0xf8: {  	s29 =	sadd.s32 s1, s28  }
0xf9: {  	[tilespmem:s16], [sflag:$0x2] =	stream.linear.gather [hbm4b:s29+s5], $0x1900, $0x38;
	[tilespmem:$0x1CF00] =	vst v63  }
.Ltmp4:
0xfa: {  	_ = 	snop;
	(pc) =	sbr.rel .LBB2_4-.Ltmp4, $4  }
0xfb: {  	s31 =	sadd.s32 s2, s28  }
0xfc: {  	[tilespmem:s17], [sflag:$0x2] =	stream.linear.gather [hbm4b:s31+s5], $0x1900, $0x38;
	[tilespmem:$0x1CF00] =	vst v63  }
0xfd: {  	s26 =	sadd.s32 $0x1, s26;
	s28 =	sadd.s32 s3, s28  }
0xfe: {  	[tilespmem:s18], [sflag:$0x2] =	stream.linear.gather [hbm4b:s28+s5], $0x1900, $0x38;
	[tilespmem:$0x1CF00] =	vst v63  }
.LBB2_9:
0xff: {  	s28 =	simm.s32 $0x9CA0  }
0x100: {  	v1 =	vld [tilespmem:s28+$0xFFFFFFE0]  }
0x101: {  	v3 =	vld [tilespmem:s28+$0x0]  }
0x102: {  	v2 =	vld [tilespmem:s28+$0x10]  }
0x103: {  	v4 =	vld [tilespmem:s28+$0xFFFFFFF0];
	_ =	sdelay $0x1  }
0x104: {  	s26 =	simm.s32 $0x9CE0;
	v5 =	vmax.f32 v1, $0.0e+00  }
0x105: {  	v1 =	vld [tilespmem:s26+$0xFFFFFFE0];
	v6 =	vmax.f32 v3, $0.0e+00;
	[tilespmem:s28+$0xFFFFFFE0] =	vst v5  }
0x106: {  	v3 =	vld [tilespmem:s26+$0x0];
	v5 =	vmax.f32 v2, $0.0e+00;
	[tilespmem:s28+$0x0] =	vst v6  }
0x107: {  	s29 =	simm.s32 $0x4;
	v4 =	vmax.f32 v4, $0.0e+00;
	v2 =	vld [tilespmem:s26+$0x10];
	[tilespmem:s28+$0x10] =	vst v5  }
.LBB2_10:
0x108: {  	s29 =	sadd.s32 $0x4, s29  }
0x109: {  	v5 =	vld [tilespmem:s26+$0xFFFFFFF0];
	[tilespmem:s28+$0xFFFFFFF0] =	vst v4;
	s28 =	smov.u32 s26;
	p0 =	slt.u32 s29, $0x9C0  }
.Ltmp5:
0x10a: {  	(pc) =	sbr.rel @p0 .LBB2_10-.Ltmp5, $4  }
0x10b: {  	s26 =	sadd.s32 $0x40, s26;
	v4 =	vmax.f32 v1, $0.0e+00  }
0x10c: {  	v1 =	vld [tilespmem:s26+$0xFFFFFFE0];
	[tilespmem:s28+$0xFFFFFFE0] =	vst v4;
	v4 =	vmax.f32 v2, $0.0e+00  }
0x10d: {  	v2 =	vld [tilespmem:s26+$0x10];
	v6 =	vmax.f32 v3, $0.0e+00;
	[tilespmem:s28+$0x10] =	vst v4  }
0x10e: {  	v3 =	vld [tilespmem:s26+$0x0];
	v4 =	vmax.f32 v5, $0.0e+00;
	[tilespmem:s28+$0x0] =	vst v6  }
0x10f: {  	v5 =	vld [tilespmem:s26+$0xFFFFFFF0];
	_ =	sdelay $0x1  }
0x110: {  	[tilespmem:s28+$0xFFFFFFF0] =	vst v4;
	v1 =	vmax.f32 v1, $0.0e+00  }
0x111: {  	[tilespmem:s26+$0xFFFFFFE0] =	vst v1;
	v1 =	vmax.f32 v2, $0.0e+00  }
0x112: {  	s25 =	sadd.s32 $0x1, s25;
	v2 =	vmax.f32 v3, $0.0e+00;
	[tilespmem:s26+$0x10] =	vst v1  }
0x113: {  	p0 =	sne.s32 s25, s11;
	v1 =	vmax.f32 v5, $0.0e+00;
	[tilespmem:s26+$0x0] =	vst v2  }
.Ltmp6:
0x114: {  	[tilespmem:s26+$0xFFFFFFF0] =	vst v1;
	(pc) =	sbr.rel @p0 .LBB2_1-.Ltmp6, $4  }
0x115: {  	[hbm4b:s10+s22] =	stream.strided.scatter [tilespmem:s20], [sflag:$0x4], $0x9C80, s23, s22, $0x38;
	[tilespmem:$0x1CF00] =	vst v63  }
0x116: {  	_ =	swait.ge [sflag:s24], $0x9C80  }
0x117: {  	[sflag:s24] =	ssyncset.done $0x0  }
0x118: {  	[sflag:s24] =	ssyncadd.s32 $0xFFFF6380  }
0x119: {  	_ =	sfence.sel $0x180000  }
0x11a: {  	[bflag:$0x0] =	sbarrier.arrive $0xFFFF  }
0x11b: {  	p0 =	sne.s32 s0, $0x0;
	_ =	strace $0x9000004A  }
0x11c: {  	s0 =	sadd.s32 @!p0 $0x100000, s4;
	[bflag:$0x2] =	sbarrier.arrive $0xFFFF  }
0x11d: {  	[sflag:s0] =	ssyncadd.tile.s32 @!p0 $0x1;
	_ =	shalt  }
.Lfunc_end2:
_tile_overlayer_lowered:
.L_overlay_start_2:
0x11e: {  	(tag) =	ssettag $0x2  }
0x11f: {  	s0 =	rddreg [dreg:$0x0];
	s2 =	stileid.u32  }
0x120: {  	s1 =	rddreg [dreg:$0x1];
	p0 =	sne.s32 s2, $0x0  }
0x121: {  	s3 =	rddreg [dreg:$0x2];
	[bflag:$0x3] =	sbarrier.arrive $0xFFFF;
	s2 =	simm.s32 @!p0 $0x1C04  }
0x122: {  	[timem:s3], [sflag:s2] =	dma.local @!p0 [hbm:s0], s1  }
0x123: {  	s0 =	simm.s32 @!p0 $0x4  }
0x124: {  	_ =	swait.ge @!p0 [sflag:s0], s1  }
0x125: {  	s1 =	ssub.s32 @!p0 $0x0, s1;
	[sflag:s0] =	ssyncset.done @!p0 $0x0  }
0x126: {  	[sflag:s0] =	ssyncadd.s32 @!p0 s1  }
0x127: {  	[bflag:$0x3] =	sbarrier.arrive $0xFFFF  }
0x128: {  	_ =	shalt  }

</sc_bundles>
